<compile_context>
chip_gen: v7x
topology: tpu7x:2x2x1
jax: 0.10.2.dev20260603
libtpu: 0.0.44.dev20260713+nightly
codegen_flags: <defaults>
</compile_context>

<pallas_src>
import math

import jax
import jax.numpy as jnp
from jax import lax
from jax.experimental import pallas as pl
from jax.experimental.pallas import tpu as pltpu
from jax.experimental.pallas import tpu_sc as plsc

_NODE_TYPES = ('inst', 'data', 'ctrl')
_EDGE_TYPES = (('inst', 'calls', 'data'), ('data', 'flows', 'ctrl'),
               ('ctrl', 'jumps', 'inst'))
_NEG = 0.1

_NC, _NS = 2, 16
_W = _NC * _NS
_N = 10000
_E = 320000
_CF = 64
_EW = _E // _W
_KCH = 80
_NCH = 128
_EWP = _NCH * _KCH
_NP = 10240


def _sc_agg_kernel(xs_hbm, src_hbm, dst_hbm, asrc_hbm, adst_hbm,
                   acc_out, den_out,
                   asrc_v, adst_v, src_v, dst_v, ex_v, den_v,
                   buf0, buf1, zb_v, acc_sh, sem0, sem1):
    cid = lax.axis_index("c")
    sid = lax.axis_index("s")
    wid = sid * _NC + cid

    pltpu.sync_copy(src_hbm.at[pl.ds(wid * _NCH, _NCH)], src_v)
    pltpu.sync_copy(dst_hbm.at[pl.ds(wid * _NCH, _NCH)], dst_v)
    pltpu.sync_copy(asrc_hbm, asrc_v)
    pltpu.sync_copy(adst_hbm, adst_v)

    zeros16 = jnp.zeros((16,), jnp.float32)
    zeros16i = jnp.zeros((16,), jnp.int32)

    def _z_den(i, _):
        den_v[pl.ds(i * 16, 16)] = zeros16
        return 0
    lax.fori_loop(0, _NP // 16, _z_den, 0)

    def _z_zb(i, _):
        zb_v[i, pl.ds(0, 16)] = zeros16
        zb_v[i, pl.ds(16, 16)] = zeros16
        zb_v[i, pl.ds(32, 16)] = zeros16
        zb_v[i, pl.ds(48, 16)] = zeros16
        return 0
    lax.fori_loop(0, 128, _z_zb, 0)

    for j in range(5):
        pltpu.sync_copy(zb_v, acc_sh.at[pl.ds(sid * 640 + j * 128, 128)])
    plsc.subcore_barrier()

    def _logits(i, _):
        for j in range(_KCH // 16):
            sidx = src_v[i, pl.ds(j * 16, 16)]
            didx = dst_v[i, pl.ds(j * 16, 16)]
            a = (plsc.load_gather(asrc_v, [sidx])
                 + plsc.load_gather(adst_v, [didx]))
            a = jnp.where(a > 0, a, _NEG * a)
            ex = jnp.exp(a)
            ex_v[pl.ds(i * _KCH + j * 16, 16)] = ex
            plsc.addupdate_scatter(den_v, [didx], ex)
        return 0
    lax.fori_loop(0, 125, _logits, 0)

    def _scale_scatter(i, buf):
        base = i * _KCH

        def _scale(e, _c):
            s = plsc.load_gather(ex_v, [zeros16i + (base + e)])
            buf[e, pl.ds(0, 16)] = buf[e, pl.ds(0, 16)] * s
            buf[e, pl.ds(16, 16)] = buf[e, pl.ds(16, 16)] * s
            buf[e, pl.ds(32, 16)] = buf[e, pl.ds(32, 16)] * s
            buf[e, pl.ds(48, 16)] = buf[e, pl.ds(48, 16)] * s
            return 0
        lax.fori_loop(0, _KCH, _scale, 0)
        pltpu.sync_copy(buf, acc_sh.at[dst_v.at[i]], add=True)

    pltpu.async_copy(xs_hbm.at[src_v.at[0]], buf0, sem0)
    pltpu.async_copy(xs_hbm.at[src_v.at[1]], buf1, sem1)

    def _pair(p, _):
        i0 = 2 * p
        i1 = 2 * p + 1
        pltpu.make_async_copy(xs_hbm.at[src_v.at[i0]], buf0, sem0).wait()
        _scale_scatter(i0, buf0)
        pltpu.async_copy(xs_hbm.at[src_v.at[i0 + 2]], buf0, sem0)
        pltpu.make_async_copy(xs_hbm.at[src_v.at[i1]], buf1, sem1).wait()
        _scale_scatter(i1, buf1)
        pltpu.async_copy(xs_hbm.at[src_v.at[i1 + 2]], buf1, sem1)
        return 0
    lax.fori_loop(0, 62, _pair, 0)

    pltpu.make_async_copy(xs_hbm.at[src_v.at[124]], buf0, sem0).wait()
    _scale_scatter(124, buf0)
    pltpu.make_async_copy(xs_hbm.at[src_v.at[125]], buf1, sem1).wait()

    pltpu.sync_copy(den_v, den_out.at[pl.ds(wid * _NP, _NP)])
    plsc.subcore_barrier()
    pltpu.sync_copy(acc_sh.at[pl.ds(sid * 640, 640)],
                    acc_out.at[cid].at[pl.ds(sid * 640, 640)])


@jax.jit
def _sc_agg(xs, src2, dst2, a_src, a_dst):
    mesh = plsc.VectorSubcoreMesh(core_axis_name="c", subcore_axis_name="s")
    f = pl.kernel(
        _sc_agg_kernel,
        out_type=(jax.ShapeDtypeStruct((_NC, _NP, _CF), jnp.float32),
                  jax.ShapeDtypeStruct((_W * _NP,), jnp.float32)),
        mesh=mesh,
        scratch_types=[
            pltpu.VMEM((_N,), jnp.float32),
            pltpu.VMEM((_N,), jnp.float32),
            pltpu.VMEM((_NCH, _KCH), jnp.int32),
            pltpu.VMEM((_NCH, _KCH), jnp.int32),
            pltpu.VMEM((_EWP,), jnp.float32),
            pltpu.VMEM((_NP,), jnp.float32),
            pltpu.VMEM((_KCH, _CF), jnp.float32),
            pltpu.VMEM((_KCH, _CF), jnp.float32),
            pltpu.VMEM((128, _CF), jnp.float32),
            pltpu.VMEM_SHARED((_NP, _CF), jnp.float32),
            pltpu.SemaphoreType.DMA,
            pltpu.SemaphoreType.DMA,
        ],
        compiler_params=pltpu.CompilerParams(needs_layout_passes=False,
                                             use_tc_tiling_on_sc=False),
    )
    return f(xs, src2, dst2, a_src, a_dst)


def _linear(p, x):
    return x @ p['W'].T + p['b']


def _layer_norm(x, g, b, eps=1e-5):
    mu = x.mean(-1, keepdims=True)
    v = ((x - mu) ** 2).mean(-1, keepdims=True)
    return (x - mu) / jnp.sqrt(v + eps) * g + b


def _han_conv(p, x_dict, ei_dict):
    xp = {nt: _linear(p['proj'][nt], x) for nt, x in x_dict.items()}
    res = {}
    for et, (src2, dst2) in ei_dict.items():
        st, _, dt = et
        s = '__'.join(et)
        a_src = xp[st] @ p['lin_src'][s]
        a_dst = xp[dt] @ p['lin_dst'][s]
        acc, den = _sc_agg(xp[st], src2, dst2, a_src, a_dst)
        num = acc[0, :_N] + acc[1, :_N]
        den_t = den.reshape(_W, _NP).sum(0)[:_N]
        msg = num / jnp.maximum(den_t, 1e-30)[:, None]
        res[dt] = jax.nn.relu(msg)
    return res


_QBLK = 512
_KBLK = 1024
_NPAD = 10240


def _flash_kernel(q_ref, k_ref, v_ref, o_ref):
    q = q_ref[...]
    m = jnp.full((_QBLK, 1), -1e30, jnp.float32)
    l = jnp.zeros((_QBLK, 1), jnp.float32)
    acc = jnp.zeros((_QBLK, _CF), jnp.float32)

    def body(kb, carry):
        m, l, acc = carry
        kk = k_ref[pl.ds(kb * _KBLK, _KBLK), :]
        vv = v_ref[pl.ds(kb * _KBLK, _KBLK), :]
        s = jax.lax.dot_general(q, kk, (((1,), (1,)), ((), ())),
                                preferred_element_type=jnp.float32)
        s = s * (1.0 / math.sqrt(_CF))
        col = kb * _KBLK + lax.broadcasted_iota(jnp.int32, (_QBLK, _KBLK), 1)
        s = jnp.where(col < _N, s, -1e30)
        m2 = jnp.maximum(m, s.max(axis=1, keepdims=True))
        corr = jnp.exp(m - m2)
        p = jnp.exp(s - m2)
        l = l * corr + p.sum(axis=1, keepdims=True)
        acc = acc * corr + jax.lax.dot_general(
            p, vv, (((1,), (0,)), ((), ())),
            preferred_element_type=jnp.float32)
        return m2, l, acc

    m, l, acc = lax.fori_loop(0, _NPAD // _KBLK, body, (m, l, acc))
    o_ref[...] = acc / l


def _flash_attn(q, k, v):
    return pl.pallas_call(
        _flash_kernel,
        grid=(_NPAD // _QBLK,),
        in_specs=[
            pl.BlockSpec((_QBLK, _CF), lambda i: (i, 0)),
            pl.BlockSpec((_NPAD, _CF), lambda i: (0, 0)),
            pl.BlockSpec((_NPAD, _CF), lambda i: (0, 0)),
        ],
        out_specs=pl.BlockSpec((_QBLK, _CF), lambda i: (i, 0)),
        out_shape=jax.ShapeDtypeStruct((_NPAD, _CF), jnp.float32),
    )(q, k, v)


def _mab(p, x, y, c):
    Wq, Wk, Wv = p['in_W'][:c], p['in_W'][c:2 * c], p['in_W'][2 * c:]
    bq, bk, bv = p['in_b'][:c], p['in_b'][c:2 * c], p['in_b'][2 * c:]
    Q = x @ Wq.T + bq
    K = y @ Wk.T + bk
    V = y @ Wv.T + bv
    if Q.shape[1] >= _N and K.shape[1] >= _N:
        qp = jnp.pad(Q[0], ((0, _NPAD - Q.shape[1]), (0, 0)))
        kp = jnp.pad(K[0], ((0, _NPAD - K.shape[1]), (0, 0)))
        vp = jnp.pad(V[0], ((0, _NPAD - V.shape[1]), (0, 0)))
        av = _flash_attn(qp, kp, vp)[None, :Q.shape[1]]
    else:
        A = jax.nn.softmax(jnp.einsum('bqc,bkc->bqk', Q, K) / math.sqrt(c), -1)
        av = jnp.einsum('bqk,bkc->bqc', A, V)
    o = _linear(p['out'], av)
    o = o + x
    o = _layer_norm(o, p['ln1']['g'], p['ln1']['b'])
    o = o + jax.nn.relu(_linear(p['lin'], o))
    return _layer_norm(o, p['ln2']['g'], p['ln2']['b'])


def _set_transformer(p, h, c):
    x = h[None]
    x = _mab(p['enc'], x, x, c)
    z = jax.nn.relu(_linear(p['pma_lin'], x))
    s = jnp.broadcast_to(p['seed'], (x.shape[0], p['seed'].shape[1], c))
    x = _mab(p['pma_mab'], s, z, c)
    x = _mab(p['dec'], x, x, c)
    x = jnp.nan_to_num(x)
    return x.reshape(x.shape[0], -1)


def kernel(x_inst, x_data, x_ctrl, ei_inst_calls_data, ei_data_flows_ctrl,
           ei_ctrl_jumps_inst, params):
    x_dict = {'inst': x_inst, 'data': x_data, 'ctrl': x_ctrl}
    eis = (ei_inst_calls_data, ei_data_flows_ctrl, ei_ctrl_jumps_inst)
    ei_dict = {}
    for et, ei in zip(_EDGE_TYPES, eis):
        e32 = ei.astype(jnp.int32).reshape(2, _W, _EW)
        e32 = jnp.pad(e32, ((0, 0), (0, 0), (0, _EWP - _EW)))
        src2 = e32[0].reshape(_W * _NCH, _KCH)
        dst2 = e32[1].reshape(_W * _NCH, _KCH)
        ei_dict[et] = (src2, dst2)

    h = _han_conv(params['conv1'], x_dict, ei_dict)
    h = {nt: _layer_norm(h[nt], params['norm1'][nt]['g'],
                         params['norm1'][nt]['b']) for nt in h}
    h = _han_conv(params['conv2'], h, ei_dict)
    h = {nt: _layer_norm(h[nt], params['norm2'][nt]['g'],
                         params['norm2'][nt]['b']) for nt in h}
    h = _han_conv(params['conv3'], h, ei_dict)

    hs = []
    for nt in _NODE_TYPES:
        z = _set_transformer(params['st'][nt], h[nt], _CF)
        z = jax.nn.gelu(_linear(params['fc1'][nt], z), approximate=False)
        z = _linear(params['fc2'][nt], z)
        hs.append(z)
    out = jax.nn.relu(_linear(params['out_fc'], jnp.concatenate(hs, -1)))
    return out[0]

# --- scband reference (transcript-rebuilt; emitter-appended) ---
"""Pipeline reference for scband-han-66271345377440 (READ-ONLY COPY).

The authoritative reference and input builder live on the scoring server;
editing this copy changes nothing except your own understanding.
"""

import jax, jax.numpy as jnp
import numpy as np
import math

NODE_TYPES = ['inst', 'data', 'ctrl']
EDGE_TYPES = [('inst', 'calls', 'data'), ('data', 'flows', 'ctrl'), ('ctrl', 'jumps', 'inst')]
N = 10000
E = 320000
D_IN = 128
C = 64
SEEDS = 16
NEG = 0.1


def _lin(key, fi, fo):
    k1, k2 = jax.random.split(key)
    b = 1.0 / math.sqrt(fi)
    return {'W': jax.random.uniform(k1, (fo, fi), minval=-b, maxval=b, dtype=jnp.float32),
            'b': jax.random.uniform(k2, (fo,), minval=-b, maxval=b, dtype=jnp.float32)}


def _han(key, fi, fo):
    ks = jax.random.split(key, 12)
    p = {'proj': {nt: _lin(ks[i], fi, fo) for i, nt in enumerate(NODE_TYPES)},
         'lin_src': {}, 'lin_dst': {}}
    for j, et in enumerate(EDGE_TYPES):
        s = '__'.join(et)
        p['lin_src'][s] = jax.random.normal(ks[3 + 2 * j], (fo,), dtype=jnp.float32) * 0.1
        p['lin_dst'][s] = jax.random.normal(ks[4 + 2 * j], (fo,), dtype=jnp.float32) * 0.1
    p['k_lin'] = _lin(ks[10], fo, fo)
    p['q'] = jax.random.normal(ks[11], (fo,), dtype=jnp.float32) * 0.1
    return p


def _mab(key, c):
    ks = jax.random.split(key, 3)
    return {'in_W': jax.random.normal(ks[0], (3 * c, c), dtype=jnp.float32) / math.sqrt(c),
            'in_b': jnp.zeros((3 * c,), dtype=jnp.float32),
            'out': _lin(ks[1], c, c),
            'lin': _lin(ks[2], c, c),
            'ln1': {'g': jnp.ones((c,), jnp.float32), 'b': jnp.zeros((c,), jnp.float32)},
            'ln2': {'g': jnp.ones((c,), jnp.float32), 'b': jnp.zeros((c,), jnp.float32)}}


def _st(key, c, s):
    ks = jax.random.split(key, 5)
    return {'enc': _mab(ks[0], c), 'pma_lin': _lin(ks[1], c, c),
            'seed': jax.random.normal(ks[2], (1, s, c), dtype=jnp.float32),
            'pma_mab': _mab(ks[3], c), 'dec': _mab(ks[4], c)}


def setup_inputs(seed: int = 0):
    key = jax.random.key(seed)
    ks = jax.random.split(key, 16)
    inp = {'x_inst': jax.random.normal(ks[0], (N, D_IN), dtype=jnp.float32),
           'x_data': jax.random.normal(ks[1], (N, D_IN), dtype=jnp.float32),
           'x_ctrl': jax.random.normal(ks[2], (N, D_IN), dtype=jnp.float32),
           'ei_inst_calls_data': jax.random.randint(ks[3], (2, E), 0, N),
           'ei_data_flows_ctrl': jax.random.randint(ks[4], (2, E), 0, N),
           'ei_ctrl_jumps_inst': jax.random.randint(ks[5], (2, E), 0, N)}
    params = {'conv1': _han(ks[6], D_IN, C),
              'conv2': _han(ks[7], C, C),
              'conv3': _han(ks[8], C, C),
              'norm1': {nt: {'g': jnp.ones((C,), jnp.float32), 'b': jnp.zeros((C,), jnp.float32)} for nt in NODE_TYPES},
              'norm2': {nt: {'g': jnp.ones((C,), jnp.float32), 'b': jnp.zeros((C,), jnp.float32)} for nt in NODE_TYPES},
              'st': {nt: _st(jax.random.fold_in(ks[9], i), C, SEEDS) for i, nt in enumerate(NODE_TYPES)},
              'fc1': {nt: _lin(jax.random.fold_in(ks[10], i), SEEDS * C, C) for i, nt in enumerate(NODE_TYPES)},
              'fc2': {nt: _lin(jax.random.fold_in(ks[11], i), C, C) for i, nt in enumerate(NODE_TYPES)},
              'out_fc': _lin(ks[12], 3 * C, C)}
    inp['params'] = params
    return inp


def linear(p, x):
    return x @ p['W'].T + p['b']


def layer_norm(x, g, b, eps=1e-5):
    mu = x.mean(-1, keepdims=True)
    v = ((x - mu) ** 2).mean(-1, keepdims=True)
    return (x - mu) / jnp.sqrt(v + eps) * g + b


def han_conv(p, x_dict, ei_dict):
    xp = {nt: linear(p['proj'][nt], x) for nt, x in x_dict.items()}
    outs = {nt: [] for nt in x_dict}
    for et, ei in ei_dict.items():
        st, _, dt = et
        s = '__'.join(et)
        xs, xd = xp[st], xp[dt]
        a = (xs @ p['lin_src'][s])[ei[0]] + (xd @ p['lin_dst'][s])[ei[1]]
        a = jnp.where(a > 0, a, NEG * a)
        nd = xd.shape[0]
        m = jax.lax.stop_gradient(jax.ops.segment_max(a, ei[1], num_segments=nd))
        ex = jnp.exp(a - m[ei[1]])
        den = jax.ops.segment_sum(ex, ei[1], num_segments=nd)
        w = ex / den[ei[1]]
        out = jax.ops.segment_sum(xs[ei[0]] * w[:, None], ei[1], num_segments=nd)
        outs[dt].append(jax.nn.relu(out))
    res = {}
    for nt, lst in outs.items():
        stk = jnp.stack(lst)
        score = (p['q'] * jnp.tanh(linear(p['k_lin'], stk)).mean(axis=1)).sum(-1)
        attn = jax.nn.softmax(score, axis=0)
        res[nt] = (attn[:, None, None] * stk).sum(0)
    return res


def mab(p, x, y, c):
    Wq, Wk, Wv = p['in_W'][:c], p['in_W'][c:2 * c], p['in_W'][2 * c:]
    bq, bk, bv = p['in_b'][:c], p['in_b'][c:2 * c], p['in_b'][2 * c:]
    Q = x @ Wq.T + bq
    K = y @ Wk.T + bk
    V = y @ Wv.T + bv
    A = jax.nn.softmax(jnp.einsum('bqc,bkc->bqk', Q, K) / math.sqrt(c), axis=-1)
    o = linear(p['out'], jnp.einsum('bqk,bkc->bqc', A, V))
    o = o + x
    o = layer_norm(o, p['ln1']['g'], p['ln1']['b'])
    o = o + jax.nn.relu(linear(p['lin'], o))
    return layer_norm(o, p['ln2']['g'], p['ln2']['b'])


def set_transformer(p, h, c):
    x = h[None]
    x = mab(p['enc'], x, x, c)
    z = jax.nn.relu(linear(p['pma_lin'], x))
    s = jnp.broadcast_to(p['seed'], (x.shape[0], p['seed'].shape[1], c))
    x = mab(p['pma_mab'], s, z, c)
    x = mab(p['dec'], x, x, c)
    x = jnp.nan_to_num(x)
    return x.reshape(x.shape[0], -1)


def _forward(x_inst, x_data, x_ctrl, params, ei_icd, ei_dfc, ei_cji):
    x_dict = {'inst': x_inst, 'data': x_data, 'ctrl': x_ctrl}
    ei_dict = {EDGE_TYPES[0]: ei_icd, EDGE_TYPES[1]: ei_dfc, EDGE_TYPES[2]: ei_cji}
    h = han_conv(params['conv1'], x_dict, ei_dict)
    h = {nt: layer_norm(h[nt], params['norm1'][nt]['g'], params['norm1'][nt]['b']) for nt in h}
    h = han_conv(params['conv2'], h, ei_dict)
    h = {nt: layer_norm(h[nt], params['norm2'][nt]['g'], params['norm2'][nt]['b']) for nt in h}
    h = han_conv(params['conv3'], h, ei_dict)
    hs = []
    for nt in NODE_TYPES:
        z = set_transformer(params['st'][nt], h[nt], C)
        z = jax.nn.gelu(linear(params['fc1'][nt], z), approximate=False)
        z = linear(params['fc2'][nt], z)
        hs.append(z)
    out = jax.nn.relu(linear(params['out_fc'], jnp.concatenate(hs, axis=-1)))
    return out[0]


def reference(x_inst, x_data, x_ctrl, ei_inst_calls_data, ei_data_flows_ctrl, ei_ctrl_jumps_inst, params):
    return _forward(x_inst, x_data, x_ctrl, params, ei_inst_calls_data, ei_data_flows_ctrl, ei_ctrl_jumps_inst)

if __name__ == "__main__":
    import jax
    _d = setup_inputs()
    print(jax.jit(kernel)(*tuple(_d.values())))

</pallas_src>

<mosaic_0001>
#map = affine_map<(d0, d1) -> (0, 0)>
#map1 = affine_map<(d0, d1) -> (0)>
#map2 = affine_map<(d0, d1) -> (0, 0, 0)>
module attributes {stable_mosaic.version = 14 : i64} {
  func.func @_sc_agg_kernel(%arg0: i32, %arg1: i32, %arg2: memref<10000x64xf32, #tpu.memory_space<hbm>>, %arg3: memref<4096x80xi32, #tpu.memory_space<hbm>>, %arg4: memref<4096x80xi32, #tpu.memory_space<hbm>>, %arg5: memref<10000xf32, #tpu.memory_space<hbm>>, %arg6: memref<10000xf32, #tpu.memory_space<hbm>>, %arg7: memref<2x10240x64xf32, #tpu.memory_space<hbm>>, %arg8: memref<327680xf32, #tpu.memory_space<hbm>>, %arg9: memref<10000xf32, #tpu.memory_space<vmem>>, %arg10: memref<10000xf32, #tpu.memory_space<vmem>>, %arg11: memref<128x80xi32, #tpu.memory_space<vmem>>, %arg12: memref<128x80xi32, #tpu.memory_space<vmem>>, %arg13: memref<10240xf32, #tpu.memory_space<vmem>>, %arg14: memref<10240xf32, #tpu.memory_space<vmem>>, %arg15: memref<80x64xf32, #tpu.memory_space<vmem>>, %arg16: memref<80x64xf32, #tpu.memory_space<vmem>>, %arg17: memref<128x64xf32, #tpu.memory_space<vmem>>, %arg18: memref<10240x64xf32, #tpu.memory_space<vmem_shared>>, %arg19: memref<!tpu.dma_semaphore, #tpu.memory_space<semaphore_mem>>, %arg20: memref<!tpu.dma_semaphore, #tpu.memory_space<semaphore_mem>>) attributes {dimension_semantics = [#tpu.dimension_semantics<core_parallel>, #tpu.dimension_semantics<subcore_parallel>], iteration_bounds = array<i64: 2, 16>, scalar_prefetch = 0 : i64, scratch_operands = 12 : i64, tpu.core_type = #tpu.core_type<sc_vector_subcore>, window_params = [{transform_indices = #map}, {transform_indices = #map}, {transform_indices = #map}, {transform_indices = #map1}, {transform_indices = #map1}, {transform_indices = #map2}, {transform_indices = #map1}]} {
    %mul3A = arith.constant 2 : i32
    %mul3A_0 = arith.muli %arg1, %mul3A : i32
    %add3A = arith.addi %mul3A_0, %arg0 : i32
    %mul3A_1 = arith.constant 128 : i32
    %mul3A_2 = arith.muli %add3A, %mul3A_1 : i32
    "tpu.region"() ({
      %run_scoped3A_95 = tpu.sem_alloc : memref<!tpu.dma_semaphore, #tpu.memory_space<semaphore_mem>>
      %dma_start3A_96 = arith.constant 0 : i32
      %dma_start3A_97 = tpu.memref_slice %arg3[%mul3A_2, %dma_start3A_96] : memref<4096x80xi32, #tpu.memory_space<hbm>> -> memref<128x80xi32, #tpu.memory_space<hbm>>
      %dma_start3A_98 = arith.constant 0 : i32
      %dma_start3A_99 = tpu.memref_slice %arg3[%mul3A_2, %dma_start3A_98] : memref<4096x80xi32, #tpu.memory_space<hbm>> -> memref<128x80xi32, #tpu.memory_space<hbm>>
      tpu.enqueue_dma source(%dma_start3A_99 : memref<128x80xi32, #tpu.memory_space<hbm>>) target(%arg11 : memref<128x80xi32, #tpu.memory_space<vmem>>) target_semaphore(%run_scoped3A_95 : memref<!tpu.dma_semaphore, #tpu.memory_space<semaphore_mem>>)
      %dma_wait3A_100 = arith.constant 0 : i32
      %dma_wait3A_101 = tpu.memref_slice %arg3[%mul3A_2, %dma_wait3A_100] : memref<4096x80xi32, #tpu.memory_space<hbm>> -> memref<128x80xi32, #tpu.memory_space<hbm>>
      %dma_wait3A_102 = arith.constant 0 : i32
      %dma_wait3A_103 = tpu.memref_slice %arg3[%mul3A_2, %dma_wait3A_102] : memref<4096x80xi32, #tpu.memory_space<hbm>> -> memref<128x80xi32, #tpu.memory_space<hbm>>
      tpu.wait_dma2 semaphore(%run_scoped3A_95 : memref<!tpu.dma_semaphore, #tpu.memory_space<semaphore_mem>>) src(%dma_wait3A_103 : memref<128x80xi32, #tpu.memory_space<hbm>>) dst(%arg11 : memref<128x80xi32, #tpu.memory_space<vmem>>)
      tpu.yield
    }) : () -> ()
    %mul3A_3 = arith.constant 128 : i32
    %mul3A_4 = arith.muli %add3A, %mul3A_3 : i32
    "tpu.region"() ({
      %run_scoped3A_95 = tpu.sem_alloc : memref<!tpu.dma_semaphore, #tpu.memory_space<semaphore_mem>>
      %dma_start3A_96 = arith.constant 0 : i32
      %dma_start3A_97 = tpu.memref_slice %arg4[%mul3A_4, %dma_start3A_96] : memref<4096x80xi32, #tpu.memory_space<hbm>> -> memref<128x80xi32, #tpu.memory_space<hbm>>
      %dma_start3A_98 = arith.constant 0 : i32
      %dma_start3A_99 = tpu.memref_slice %arg4[%mul3A_4, %dma_start3A_98] : memref<4096x80xi32, #tpu.memory_space<hbm>> -> memref<128x80xi32, #tpu.memory_space<hbm>>
      tpu.enqueue_dma source(%dma_start3A_99 : memref<128x80xi32, #tpu.memory_space<hbm>>) target(%arg12 : memref<128x80xi32, #tpu.memory_space<vmem>>) target_semaphore(%run_scoped3A_95 : memref<!tpu.dma_semaphore, #tpu.memory_space<semaphore_mem>>)
      %dma_wait3A_100 = arith.constant 0 : i32
      %dma_wait3A_101 = tpu.memref_slice %arg4[%mul3A_4, %dma_wait3A_100] : memref<4096x80xi32, #tpu.memory_space<hbm>> -> memref<128x80xi32, #tpu.memory_space<hbm>>
      %dma_wait3A_102 = arith.constant 0 : i32
      %dma_wait3A_103 = tpu.memref_slice %arg4[%mul3A_4, %dma_wait3A_102] : memref<4096x80xi32, #tpu.memory_space<hbm>> -> memref<128x80xi32, #tpu.memory_space<hbm>>
      tpu.wait_dma2 semaphore(%run_scoped3A_95 : memref<!tpu.dma_semaphore, #tpu.memory_space<semaphore_mem>>) src(%dma_wait3A_103 : memref<128x80xi32, #tpu.memory_space<hbm>>) dst(%arg12 : memref<128x80xi32, #tpu.memory_space<vmem>>)
      tpu.yield
    }) : () -> ()
    "tpu.region"() ({
      %run_scoped3A_95 = tpu.sem_alloc : memref<!tpu.dma_semaphore, #tpu.memory_space<semaphore_mem>>
      tpu.enqueue_dma source(%arg5 : memref<10000xf32, #tpu.memory_space<hbm>>) target(%arg9 : memref<10000xf32, #tpu.memory_space<vmem>>) target_semaphore(%run_scoped3A_95 : memref<!tpu.dma_semaphore, #tpu.memory_space<semaphore_mem>>)
      tpu.wait_dma2 semaphore(%run_scoped3A_95 : memref<!tpu.dma_semaphore, #tpu.memory_space<semaphore_mem>>) src(%arg5 : memref<10000xf32, #tpu.memory_space<hbm>>) dst(%arg9 : memref<10000xf32, #tpu.memory_space<vmem>>)
      tpu.yield
    }) : () -> ()
    "tpu.region"() ({
      %run_scoped3A_95 = tpu.sem_alloc : memref<!tpu.dma_semaphore, #tpu.memory_space<semaphore_mem>>
      tpu.enqueue_dma source(%arg6 : memref<10000xf32, #tpu.memory_space<hbm>>) target(%arg10 : memref<10000xf32, #tpu.memory_space<vmem>>) target_semaphore(%run_scoped3A_95 : memref<!tpu.dma_semaphore, #tpu.memory_space<semaphore_mem>>)
      tpu.wait_dma2 semaphore(%run_scoped3A_95 : memref<!tpu.dma_semaphore, #tpu.memory_space<semaphore_mem>>) src(%arg6 : memref<10000xf32, #tpu.memory_space<hbm>>) dst(%arg10 : memref<10000xf32, #tpu.memory_space<vmem>>)
      tpu.yield
    }) : () -> ()
    %broadcast_in_dim3A = arith.constant 0.000000e+00 : f32
    %broadcast_in_dim3A_5 = vector.broadcast %broadcast_in_dim3A : f32 to vector<16xf32>
    %broadcast_in_dim3A_6 = arith.constant 0 : i32
    %broadcast_in_dim3A_7 = vector.broadcast %broadcast_in_dim3A_6 : i32 to vector<16xi32>
    %scan3A = arith.constant 0 : i32
    %scan3A_8 = arith.constant 0 : i32
    %scan3A_9 = arith.constant 640 : i32
    %scan3A_10 = arith.addi %scan3A_8, %scan3A_9 : i32
    %scan3A_11 = arith.constant 1 : i32
    %scan3A_12 = scf.for %scan3A_95 = %scan3A_8 to %scan3A_10 step %scan3A_11 iter_args(%scan3A_96 = %scan3A) -> (i32)  : i32 {
      %mul3A_97 = arith.constant 16 : i32
      %mul3A_98 = arith.muli %scan3A_95, %mul3A_97 : i32
      %swap3A = arith.index_cast %mul3A_98 : i32 to index
      %swap3A_99 = tpu.vector_load %arg14[%swap3A] {strides = array<i32>} : memref<10240xf32, #tpu.memory_space<vmem>>, vector<16xf32>,
      tpu.vector_store %arg14[%swap3A], %broadcast_in_dim3A_5 {strides = array<i32>} : memref<10240xf32, #tpu.memory_space<vmem>>, vector<16xf32>,
      %scan3A_100 = arith.constant 0 : i32
      scf.yield %scan3A_100 : i32
    }
    %scan3A_13 = arith.constant 640 : i32
    %scan3A_14 = arith.constant 0 : i32
    %scan3A_15 = arith.constant 0 : i32
    %scan3A_16 = arith.constant 128 : i32
    %scan3A_17 = arith.addi %scan3A_15, %scan3A_16 : i32
    %scan3A_18 = arith.constant 1 : i32
    %scan3A_19 = scf.for %scan3A_95 = %scan3A_15 to %scan3A_17 step %scan3A_18 iter_args(%scan3A_96 = %scan3A_14) -> (i32)  : i32 {
      %swap3A = arith.index_cast %scan3A_95 : i32 to index
      %swap3A_97 = arith.constant 0 : index
      %swap3A_98 = tpu.vector_load %arg17[%swap3A, %swap3A_97] {strides = array<i32>} : memref<128x64xf32, #tpu.memory_space<vmem>>, vector<16xf32>,
      tpu.vector_store %arg17[%swap3A, %swap3A_97], %broadcast_in_dim3A_5 {strides = array<i32>} : memref<128x64xf32, #tpu.memory_space<vmem>>, vector<16xf32>,
      %swap3A_99 = arith.index_cast %scan3A_95 : i32 to index
      %swap3A_100 = arith.constant 16 : index
      %swap3A_101 = tpu.vector_load %arg17[%swap3A_99, %swap3A_100] {strides = array<i32>} : memref<128x64xf32, #tpu.memory_space<vmem>>, vector<16xf32>,
      tpu.vector_store %arg17[%swap3A_99, %swap3A_100], %broadcast_in_dim3A_5 {strides = array<i32>} : memref<128x64xf32, #tpu.memory_space<vmem>>, vector<16xf32>,
      %swap3A_102 = arith.index_cast %scan3A_95 : i32 to index
      %swap3A_103 = arith.constant 32 : index
      %swap3A_104 = tpu.vector_load %arg17[%swap3A_102, %swap3A_103] {strides = array<i32>} : memref<128x64xf32, #tpu.memory_space<vmem>>, vector<16xf32>,
      tpu.vector_store %arg17[%swap3A_102, %swap3A_103], %broadcast_in_dim3A_5 {strides = array<i32>} : memref<128x64xf32, #tpu.memory_space<vmem>>, vector<16xf32>,
      %swap3A_105 = arith.index_cast %scan3A_95 : i32 to index
      %swap3A_106 = arith.constant 48 : index
      %swap3A_107 = tpu.vector_load %arg17[%swap3A_105, %swap3A_106] {strides = array<i32>} : memref<128x64xf32, #tpu.memory_space<vmem>>, vector<16xf32>,
      tpu.vector_store %arg17[%swap3A_105, %swap3A_106], %broadcast_in_dim3A_5 {strides = array<i32>} : memref<128x64xf32, #tpu.memory_space<vmem>>, vector<16xf32>,
      %scan3A_108 = arith.constant 0 : i32
      scf.yield %scan3A_108 : i32
    }
    %scan3A_20 = arith.constant 128 : i32
    %mul3A_21 = arith.constant 640 : i32
    %mul3A_22 = arith.muli %arg1, %mul3A_21 : i32
    %add3A_23 = arith.constant 0 : i32
    %add3A_24 = arith.addi %mul3A_22, %add3A_23 : i32
    "tpu.region"() ({
      %run_scoped3A_95 = tpu.sem_alloc : memref<!tpu.dma_semaphore, #tpu.memory_space<semaphore_mem>>
      %dma_start3A_96 = arith.constant 0 : i32
      %dma_start3A_97 = tpu.memref_slice %arg18[%add3A_24, %dma_start3A_96] : memref<10240x64xf32, #tpu.memory_space<vmem_shared>> -> memref<128x64xf32, #tpu.memory_space<vmem_shared>>
      %dma_start3A_98 = arith.constant 0 : i32
      %dma_start3A_99 = tpu.memref_slice %arg18[%add3A_24, %dma_start3A_98] : memref<10240x64xf32, #tpu.memory_space<vmem_shared>> -> memref<128x64xf32, #tpu.memory_space<vmem_shared>>
      tpu.enqueue_dma source(%arg17 : memref<128x64xf32, #tpu.memory_space<vmem>>) target(%dma_start3A_99 : memref<128x64xf32, #tpu.memory_space<vmem_shared>>) target_semaphore(%run_scoped3A_95 : memref<!tpu.dma_semaphore, #tpu.memory_space<semaphore_mem>>)
      %dma_wait3A_100 = arith.constant 0 : i32
      %dma_wait3A_101 = tpu.memref_slice %arg18[%add3A_24, %dma_wait3A_100] : memref<10240x64xf32, #tpu.memory_space<vmem_shared>> -> memref<128x64xf32, #tpu.memory_space<vmem_shared>>
      %dma_wait3A_102 = arith.constant 0 : i32
      %dma_wait3A_103 = tpu.memref_slice %arg18[%add3A_24, %dma_wait3A_102] : memref<10240x64xf32, #tpu.memory_space<vmem_shared>> -> memref<128x64xf32, #tpu.memory_space<vmem_shared>>
      tpu.wait_dma2 semaphore(%run_scoped3A_95 : memref<!tpu.dma_semaphore, #tpu.memory_space<semaphore_mem>>) src(%arg17 : memref<128x64xf32, #tpu.memory_space<vmem>>) dst(%dma_wait3A_103 : memref<128x64xf32, #tpu.memory_space<vmem_shared>>)
      tpu.yield
    }) : () -> ()
    %mul3A_25 = arith.constant 640 : i32
    %mul3A_26 = arith.muli %arg1, %mul3A_25 : i32
    %add3A_27 = arith.constant 128 : i32
    %add3A_28 = arith.addi %mul3A_26, %add3A_27 : i32
    "tpu.region"() ({
      %run_scoped3A_95 = tpu.sem_alloc : memref<!tpu.dma_semaphore, #tpu.memory_space<semaphore_mem>>
      %dma_start3A_96 = arith.constant 0 : i32
      %dma_start3A_97 = tpu.memref_slice %arg18[%add3A_28, %dma_start3A_96] : memref<10240x64xf32, #tpu.memory_space<vmem_shared>> -> memref<128x64xf32, #tpu.memory_space<vmem_shared>>
      %dma_start3A_98 = arith.constant 0 : i32
      %dma_start3A_99 = tpu.memref_slice %arg18[%add3A_28, %dma_start3A_98] : memref<10240x64xf32, #tpu.memory_space<vmem_shared>> -> memref<128x64xf32, #tpu.memory_space<vmem_shared>>
      tpu.enqueue_dma source(%arg17 : memref<128x64xf32, #tpu.memory_space<vmem>>) target(%dma_start3A_99 : memref<128x64xf32, #tpu.memory_space<vmem_shared>>) target_semaphore(%run_scoped3A_95 : memref<!tpu.dma_semaphore, #tpu.memory_space<semaphore_mem>>)
      %dma_wait3A_100 = arith.constant 0 : i32
      %dma_wait3A_101 = tpu.memref_slice %arg18[%add3A_28, %dma_wait3A_100] : memref<10240x64xf32, #tpu.memory_space<vmem_shared>> -> memref<128x64xf32, #tpu.memory_space<vmem_shared>>
      %dma_wait3A_102 = arith.constant 0 : i32
      %dma_wait3A_103 = tpu.memref_slice %arg18[%add3A_28, %dma_wait3A_102] : memref<10240x64xf32, #tpu.memory_space<vmem_shared>> -> memref<128x64xf32, #tpu.memory_space<vmem_shared>>
      tpu.wait_dma2 semaphore(%run_scoped3A_95 : memref<!tpu.dma_semaphore, #tpu.memory_space<semaphore_mem>>) src(%arg17 : memref<128x64xf32, #tpu.memory_space<vmem>>) dst(%dma_wait3A_103 : memref<128x64xf32, #tpu.memory_space<vmem_shared>>)
      tpu.yield
    }) : () -> ()
    %mul3A_29 = arith.constant 640 : i32
    %mul3A_30 = arith.muli %arg1, %mul3A_29 : i32
    %add3A_31 = arith.constant 256 : i32
    %add3A_32 = arith.addi %mul3A_30, %add3A_31 : i32
    "tpu.region"() ({
      %run_scoped3A_95 = tpu.sem_alloc : memref<!tpu.dma_semaphore, #tpu.memory_space<semaphore_mem>>
      %dma_start3A_96 = arith.constant 0 : i32
      %dma_start3A_97 = tpu.memref_slice %arg18[%add3A_32, %dma_start3A_96] : memref<10240x64xf32, #tpu.memory_space<vmem_shared>> -> memref<128x64xf32, #tpu.memory_space<vmem_shared>>
      %dma_start3A_98 = arith.constant 0 : i32
      %dma_start3A_99 = tpu.memref_slice %arg18[%add3A_32, %dma_start3A_98] : memref<10240x64xf32, #tpu.memory_space<vmem_shared>> -> memref<128x64xf32, #tpu.memory_space<vmem_shared>>
      tpu.enqueue_dma source(%arg17 : memref<128x64xf32, #tpu.memory_space<vmem>>) target(%dma_start3A_99 : memref<128x64xf32, #tpu.memory_space<vmem_shared>>) target_semaphore(%run_scoped3A_95 : memref<!tpu.dma_semaphore, #tpu.memory_space<semaphore_mem>>)
      %dma_wait3A_100 = arith.constant 0 : i32
      %dma_wait3A_101 = tpu.memref_slice %arg18[%add3A_32, %dma_wait3A_100] : memref<10240x64xf32, #tpu.memory_space<vmem_shared>> -> memref<128x64xf32, #tpu.memory_space<vmem_shared>>
      %dma_wait3A_102 = arith.constant 0 : i32
      %dma_wait3A_103 = tpu.memref_slice %arg18[%add3A_32, %dma_wait3A_102] : memref<10240x64xf32, #tpu.memory_space<vmem_shared>> -> memref<128x64xf32, #tpu.memory_space<vmem_shared>>
      tpu.wait_dma2 semaphore(%run_scoped3A_95 : memref<!tpu.dma_semaphore, #tpu.memory_space<semaphore_mem>>) src(%arg17 : memref<128x64xf32, #tpu.memory_space<vmem>>) dst(%dma_wait3A_103 : memref<128x64xf32, #tpu.memory_space<vmem_shared>>)
      tpu.yield
    }) : () -> ()
    %mul3A_33 = arith.constant 640 : i32
    %mul3A_34 = arith.muli %arg1, %mul3A_33 : i32
    %add3A_35 = arith.constant 384 : i32
    %add3A_36 = arith.addi %mul3A_34, %add3A_35 : i32
    "tpu.region"() ({
      %run_scoped3A_95 = tpu.sem_alloc : memref<!tpu.dma_semaphore, #tpu.memory_space<semaphore_mem>>
      %dma_start3A_96 = arith.constant 0 : i32
      %dma_start3A_97 = tpu.memref_slice %arg18[%add3A_36, %dma_start3A_96] : memref<10240x64xf32, #tpu.memory_space<vmem_shared>> -> memref<128x64xf32, #tpu.memory_space<vmem_shared>>
      %dma_start3A_98 = arith.constant 0 : i32
      %dma_start3A_99 = tpu.memref_slice %arg18[%add3A_36, %dma_start3A_98] : memref<10240x64xf32, #tpu.memory_space<vmem_shared>> -> memref<128x64xf32, #tpu.memory_space<vmem_shared>>
      tpu.enqueue_dma source(%arg17 : memref<128x64xf32, #tpu.memory_space<vmem>>) target(%dma_start3A_99 : memref<128x64xf32, #tpu.memory_space<vmem_shared>>) target_semaphore(%run_scoped3A_95 : memref<!tpu.dma_semaphore, #tpu.memory_space<semaphore_mem>>)
      %dma_wait3A_100 = arith.constant 0 : i32
      %dma_wait3A_101 = tpu.memref_slice %arg18[%add3A_36, %dma_wait3A_100] : memref<10240x64xf32, #tpu.memory_space<vmem_shared>> -> memref<128x64xf32, #tpu.memory_space<vmem_shared>>
      %dma_wait3A_102 = arith.constant 0 : i32
      %dma_wait3A_103 = tpu.memref_slice %arg18[%add3A_36, %dma_wait3A_102] : memref<10240x64xf32, #tpu.memory_space<vmem_shared>> -> memref<128x64xf32, #tpu.memory_space<vmem_shared>>
      tpu.wait_dma2 semaphore(%run_scoped3A_95 : memref<!tpu.dma_semaphore, #tpu.memory_space<semaphore_mem>>) src(%arg17 : memref<128x64xf32, #tpu.memory_space<vmem>>) dst(%dma_wait3A_103 : memref<128x64xf32, #tpu.memory_space<vmem_shared>>)
      tpu.yield
    }) : () -> ()
    %mul3A_37 = arith.constant 640 : i32
    %mul3A_38 = arith.muli %arg1, %mul3A_37 : i32
    %add3A_39 = arith.constant 512 : i32
    %add3A_40 = arith.addi %mul3A_38, %add3A_39 : i32
    "tpu.region"() ({
      %run_scoped3A_95 = tpu.sem_alloc : memref<!tpu.dma_semaphore, #tpu.memory_space<semaphore_mem>>
      %dma_start3A_96 = arith.constant 0 : i32
      %dma_start3A_97 = tpu.memref_slice %arg18[%add3A_40, %dma_start3A_96] : memref<10240x64xf32, #tpu.memory_space<vmem_shared>> -> memref<128x64xf32, #tpu.memory_space<vmem_shared>>
      %dma_start3A_98 = arith.constant 0 : i32
      %dma_start3A_99 = tpu.memref_slice %arg18[%add3A_40, %dma_start3A_98] : memref<10240x64xf32, #tpu.memory_space<vmem_shared>> -> memref<128x64xf32, #tpu.memory_space<vmem_shared>>
      tpu.enqueue_dma source(%arg17 : memref<128x64xf32, #tpu.memory_space<vmem>>) target(%dma_start3A_99 : memref<128x64xf32, #tpu.memory_space<vmem_shared>>) target_semaphore(%run_scoped3A_95 : memref<!tpu.dma_semaphore, #tpu.memory_space<semaphore_mem>>)
      %dma_wait3A_100 = arith.constant 0 : i32
      %dma_wait3A_101 = tpu.memref_slice %arg18[%add3A_40, %dma_wait3A_100] : memref<10240x64xf32, #tpu.memory_space<vmem_shared>> -> memref<128x64xf32, #tpu.memory_space<vmem_shared>>
      %dma_wait3A_102 = arith.constant 0 : i32
      %dma_wait3A_103 = tpu.memref_slice %arg18[%add3A_40, %dma_wait3A_102] : memref<10240x64xf32, #tpu.memory_space<vmem_shared>> -> memref<128x64xf32, #tpu.memory_space<vmem_shared>>
      tpu.wait_dma2 semaphore(%run_scoped3A_95 : memref<!tpu.dma_semaphore, #tpu.memory_space<semaphore_mem>>) src(%arg17 : memref<128x64xf32, #tpu.memory_space<vmem>>) dst(%dma_wait3A_103 : memref<128x64xf32, #tpu.memory_space<vmem_shared>>)
      tpu.yield
    }) : () -> ()
    %barrier3A = arith.constant 0 : index
    tpu.barrier barrier_id(%barrier3A)
    %scan3A_41 = arith.constant 0 : i32
    %scan3A_42 = arith.constant 0 : i32
    %scan3A_43 = arith.constant 125 : i32
    %scan3A_44 = arith.addi %scan3A_42, %scan3A_43 : i32
    %scan3A_45 = arith.constant 1 : i32
    %scan3A_46 = scf.for %scan3A_95 = %scan3A_42 to %scan3A_44 step %scan3A_45 iter_args(%scan3A_96 = %scan3A_41) -> (i32)  : i32 {
      %get3A = arith.index_cast %scan3A_95 : i32 to index
      %get3A_97 = arith.constant 0 : index
      %get3A_98 = tpu.vector_load %arg11[%get3A, %get3A_97] {strides = array<i32>} : memref<128x80xi32, #tpu.memory_space<vmem>>, vector<16xi32>,
      %get3A_99 = arith.index_cast %scan3A_95 : i32 to index
      %get3A_100 = arith.constant 0 : index
      %get3A_101 = tpu.vector_load %arg12[%get3A_99, %get3A_100] {strides = array<i32>} : memref<128x80xi32, #tpu.memory_space<vmem>>, vector<16xi32>,
      %gather3A = tpu.vector_load_idx %arg9[%get3A_98] : memref<10000xf32, #tpu.memory_space<vmem>>[vector<16xi32>], vector<16xf32>,
      %gather3A_102 = tpu.vector_load_idx %arg10[%get3A_101] : memref<10000xf32, #tpu.memory_space<vmem>>[vector<16xi32>], vector<16xf32>,
      %add3A_103 = arith.addf %gather3A, %gather3A_102 : vector<16xf32>
      %gt3A = arith.constant 0.000000e+00 : f32
      %gt3A_104 = vector.broadcast %gt3A : f32 to vector<16xf32>
      %gt3A_105 = arith.cmpf ogt, %add3A_103, %gt3A_104 : vector<16xf32>
      %mul3A_106 = arith.constant 1.000000e-01 : f32
      %mul3A_107 = vector.broadcast %mul3A_106 : f32 to vector<16xf32>
      %mul3A_108 = arith.mulf %mul3A_107, %add3A_103 : vector<16xf32>
      %select_n3A = arith.select %gt3A_105, %add3A_103, %mul3A_108 : vector<16xi1>, vector<16xf32>
      %exp3A = math.exp %select_n3A : vector<16xf32>
      %mul3A_109 = arith.constant 80 : i32
      %mul3A_110 = arith.muli %scan3A_95, %mul3A_109 : i32
      %add3A_111 = arith.constant 0 : i32
      %add3A_112 = arith.addi %mul3A_110, %add3A_111 : i32
      %swap3A = arith.index_cast %add3A_112 : i32 to index
      %swap3A_113 = tpu.vector_load %arg13[%swap3A] {strides = array<i32>} : memref<10240xf32, #tpu.memory_space<vmem>>, vector<16xf32>,
      tpu.vector_store %arg13[%swap3A], %exp3A {strides = array<i32>} : memref<10240xf32, #tpu.memory_space<vmem>>, vector<16xf32>,
      tpu.vector_store_idx %arg14[%get3A_101], %exp3A {add = true} : memref<10240xf32, #tpu.memory_space<vmem>>[vector<16xi32>], vector<16xf32>,
      %get3A_114 = arith.index_cast %scan3A_95 : i32 to index
      %get3A_115 = arith.constant 16 : index
      %get3A_116 = tpu.vector_load %arg11[%get3A_114, %get3A_115] {strides = array<i32>} : memref<128x80xi32, #tpu.memory_space<vmem>>, vector<16xi32>,
      %get3A_117 = arith.index_cast %scan3A_95 : i32 to index
      %get3A_118 = arith.constant 16 : index
      %get3A_119 = tpu.vector_load %arg12[%get3A_117, %get3A_118] {strides = array<i32>} : memref<128x80xi32, #tpu.memory_space<vmem>>, vector<16xi32>,
      %gather3A_120 = tpu.vector_load_idx %arg9[%get3A_116] : memref<10000xf32, #tpu.memory_space<vmem>>[vector<16xi32>], vector<16xf32>,
      %gather3A_121 = tpu.vector_load_idx %arg10[%get3A_119] : memref<10000xf32, #tpu.memory_space<vmem>>[vector<16xi32>], vector<16xf32>,
      %add3A_122 = arith.addf %gather3A_120, %gather3A_121 : vector<16xf32>
      %gt3A_123 = arith.constant 0.000000e+00 : f32
      %gt3A_124 = vector.broadcast %gt3A_123 : f32 to vector<16xf32>
      %gt3A_125 = arith.cmpf ogt, %add3A_122, %gt3A_124 : vector<16xf32>
      %mul3A_126 = arith.constant 1.000000e-01 : f32
      %mul3A_127 = vector.broadcast %mul3A_126 : f32 to vector<16xf32>
      %mul3A_128 = arith.mulf %mul3A_127, %add3A_122 : vector<16xf32>
      %select_n3A_129 = arith.select %gt3A_125, %add3A_122, %mul3A_128 : vector<16xi1>, vector<16xf32>
      %exp3A_130 = math.exp %select_n3A_129 : vector<16xf32>
      %mul3A_131 = arith.constant 80 : i32
      %mul3A_132 = arith.muli %scan3A_95, %mul3A_131 : i32
      %add3A_133 = arith.constant 16 : i32
      %add3A_134 = arith.addi %mul3A_132, %add3A_133 : i32
      %swap3A_135 = arith.index_cast %add3A_134 : i32 to index
      %swap3A_136 = tpu.vector_load %arg13[%swap3A_135] {strides = array<i32>} : memref<10240xf32, #tpu.memory_space<vmem>>, vector<16xf32>,
      tpu.vector_store %arg13[%swap3A_135], %exp3A_130 {strides = array<i32>} : memref<10240xf32, #tpu.memory_space<vmem>>, vector<16xf32>,
      tpu.vector_store_idx %arg14[%get3A_119], %exp3A_130 {add = true} : memref<10240xf32, #tpu.memory_space<vmem>>[vector<16xi32>], vector<16xf32>,
      %get3A_137 = arith.index_cast %scan3A_95 : i32 to index
      %get3A_138 = arith.constant 32 : index
      %get3A_139 = tpu.vector_load %arg11[%get3A_137, %get3A_138] {strides = array<i32>} : memref<128x80xi32, #tpu.memory_space<vmem>>, vector<16xi32>,
      %get3A_140 = arith.index_cast %scan3A_95 : i32 to index
      %get3A_141 = arith.constant 32 : index
      %get3A_142 = tpu.vector_load %arg12[%get3A_140, %get3A_141] {strides = array<i32>} : memref<128x80xi32, #tpu.memory_space<vmem>>, vector<16xi32>,
      %gather3A_143 = tpu.vector_load_idx %arg9[%get3A_139] : memref<10000xf32, #tpu.memory_space<vmem>>[vector<16xi32>], vector<16xf32>,
      %gather3A_144 = tpu.vector_load_idx %arg10[%get3A_142] : memref<10000xf32, #tpu.memory_space<vmem>>[vector<16xi32>], vector<16xf32>,
      %add3A_145 = arith.addf %gather3A_143, %gather3A_144 : vector<16xf32>
      %gt3A_146 = arith.constant 0.000000e+00 : f32
      %gt3A_147 = vector.broadcast %gt3A_146 : f32 to vector<16xf32>
      %gt3A_148 = arith.cmpf ogt, %add3A_145, %gt3A_147 : vector<16xf32>
      %mul3A_149 = arith.constant 1.000000e-01 : f32
      %mul3A_150 = vector.broadcast %mul3A_149 : f32 to vector<16xf32>
      %mul3A_151 = arith.mulf %mul3A_150, %add3A_145 : vector<16xf32>
      %select_n3A_152 = arith.select %gt3A_148, %add3A_145, %mul3A_151 : vector<16xi1>, vector<16xf32>
      %exp3A_153 = math.exp %select_n3A_152 : vector<16xf32>
      %mul3A_154 = arith.constant 80 : i32
      %mul3A_155 = arith.muli %scan3A_95, %mul3A_154 : i32
      %add3A_156 = arith.constant 32 : i32
      %add3A_157 = arith.addi %mul3A_155, %add3A_156 : i32
      %swap3A_158 = arith.index_cast %add3A_157 : i32 to index
      %swap3A_159 = tpu.vector_load %arg13[%swap3A_158] {strides = array<i32>} : memref<10240xf32, #tpu.memory_space<vmem>>, vector<16xf32>,
      tpu.vector_store %arg13[%swap3A_158], %exp3A_153 {strides = array<i32>} : memref<10240xf32, #tpu.memory_space<vmem>>, vector<16xf32>,
      tpu.vector_store_idx %arg14[%get3A_142], %exp3A_153 {add = true} : memref<10240xf32, #tpu.memory_space<vmem>>[vector<16xi32>], vector<16xf32>,
      %get3A_160 = arith.index_cast %scan3A_95 : i32 to index
      %get3A_161 = arith.constant 48 : index
      %get3A_162 = tpu.vector_load %arg11[%get3A_160, %get3A_161] {strides = array<i32>} : memref<128x80xi32, #tpu.memory_space<vmem>>, vector<16xi32>,
      %get3A_163 = arith.index_cast %scan3A_95 : i32 to index
      %get3A_164 = arith.constant 48 : index
      %get3A_165 = tpu.vector_load %arg12[%get3A_163, %get3A_164] {strides = array<i32>} : memref<128x80xi32, #tpu.memory_space<vmem>>, vector<16xi32>,
      %gather3A_166 = tpu.vector_load_idx %arg9[%get3A_162] : memref<10000xf32, #tpu.memory_space<vmem>>[vector<16xi32>], vector<16xf32>,
      %gather3A_167 = tpu.vector_load_idx %arg10[%get3A_165] : memref<10000xf32, #tpu.memory_space<vmem>>[vector<16xi32>], vector<16xf32>,
      %add3A_168 = arith.addf %gather3A_166, %gather3A_167 : vector<16xf32>
      %gt3A_169 = arith.constant 0.000000e+00 : f32
      %gt3A_170 = vector.broadcast %gt3A_169 : f32 to vector<16xf32>
      %gt3A_171 = arith.cmpf ogt, %add3A_168, %gt3A_170 : vector<16xf32>
      %mul3A_172 = arith.constant 1.000000e-01 : f32
      %mul3A_173 = vector.broadcast %mul3A_172 : f32 to vector<16xf32>
      %mul3A_174 = arith.mulf %mul3A_173, %add3A_168 : vector<16xf32>
      %select_n3A_175 = arith.select %gt3A_171, %add3A_168, %mul3A_174 : vector<16xi1>, vector<16xf32>
      %exp3A_176 = math.exp %select_n3A_175 : vector<16xf32>
      %mul3A_177 = arith.constant 80 : i32
      %mul3A_178 = arith.muli %scan3A_95, %mul3A_177 : i32
      %add3A_179 = arith.constant 48 : i32
      %add3A_180 = arith.addi %mul3A_178, %add3A_179 : i32
      %swap3A_181 = arith.index_cast %add3A_180 : i32 to index
      %swap3A_182 = tpu.vector_load %arg13[%swap3A_181] {strides = array<i32>} : memref<10240xf32, #tpu.memory_space<vmem>>, vector<16xf32>,
      tpu.vector_store %arg13[%swap3A_181], %exp3A_176 {strides = array<i32>} : memref<10240xf32, #tpu.memory_space<vmem>>, vector<16xf32>,
      tpu.vector_store_idx %arg14[%get3A_165], %exp3A_176 {add = true} : memref<10240xf32, #tpu.memory_space<vmem>>[vector<16xi32>], vector<16xf32>,
      %get3A_183 = arith.index_cast %scan3A_95 : i32 to index
      %get3A_184 = arith.constant 64 : index
      %get3A_185 = tpu.vector_load %arg11[%get3A_183, %get3A_184] {strides = array<i32>} : memref<128x80xi32, #tpu.memory_space<vmem>>, vector<16xi32>,
      %get3A_186 = arith.index_cast %scan3A_95 : i32 to index
      %get3A_187 = arith.constant 64 : index
      %get3A_188 = tpu.vector_load %arg12[%get3A_186, %get3A_187] {strides = array<i32>} : memref<128x80xi32, #tpu.memory_space<vmem>>, vector<16xi32>,
      %gather3A_189 = tpu.vector_load_idx %arg9[%get3A_185] : memref<10000xf32, #tpu.memory_space<vmem>>[vector<16xi32>], vector<16xf32>,
      %gather3A_190 = tpu.vector_load_idx %arg10[%get3A_188] : memref<10000xf32, #tpu.memory_space<vmem>>[vector<16xi32>], vector<16xf32>,
      %add3A_191 = arith.addf %gather3A_189, %gather3A_190 : vector<16xf32>
      %gt3A_192 = arith.constant 0.000000e+00 : f32
      %gt3A_193 = vector.broadcast %gt3A_192 : f32 to vector<16xf32>
      %gt3A_194 = arith.cmpf ogt, %add3A_191, %gt3A_193 : vector<16xf32>
      %mul3A_195 = arith.constant 1.000000e-01 : f32
      %mul3A_196 = vector.broadcast %mul3A_195 : f32 to vector<16xf32>
      %mul3A_197 = arith.mulf %mul3A_196, %add3A_191 : vector<16xf32>
      %select_n3A_198 = arith.select %gt3A_194, %add3A_191, %mul3A_197 : vector<16xi1>, vector<16xf32>
      %exp3A_199 = math.exp %select_n3A_198 : vector<16xf32>
      %mul3A_200 = arith.constant 80 : i32
      %mul3A_201 = arith.muli %scan3A_95, %mul3A_200 : i32
      %add3A_202 = arith.constant 64 : i32
      %add3A_203 = arith.addi %mul3A_201, %add3A_202 : i32
      %swap3A_204 = arith.index_cast %add3A_203 : i32 to index
      %swap3A_205 = tpu.vector_load %arg13[%swap3A_204] {strides = array<i32>} : memref<10240xf32, #tpu.memory_space<vmem>>, vector<16xf32>,
      tpu.vector_store %arg13[%swap3A_204], %exp3A_199 {strides = array<i32>} : memref<10240xf32, #tpu.memory_space<vmem>>, vector<16xf32>,
      tpu.vector_store_idx %arg14[%get3A_188], %exp3A_199 {add = true} : memref<10240xf32, #tpu.memory_space<vmem>>[vector<16xi32>], vector<16xf32>,
      %scan3A_206 = arith.constant 0 : i32
      scf.yield %scan3A_206 : i32
    }
    %scan3A_47 = arith.constant 125 : i32
    %dma_start3A = arith.constant 0 : i32
    %dma_start3A_48 = arith.constant 0 : i32
    %dma_start3A_49 = tpu.memref_slice %arg11[%dma_start3A, %dma_start3A_48] : memref<128x80xi32, #tpu.memory_space<vmem>> -> memref<1x80xi32, #tpu.memory_space<vmem>>
    %dma_start3A_50 = tpu.memref_squeeze %dma_start3A_49 : memref<1x80xi32, #tpu.memory_space<vmem>> -> memref<80xi32, #tpu.memory_space<vmem>>
    %dma_start3A_51 = arith.constant 0 : i32
    %dma_start3A_52 = arith.constant 0 : i32
    %dma_start3A_53 = tpu.memref_slice %arg2[%dma_start3A_51, %dma_start3A_52] : memref<10000x64xf32, #tpu.memory_space<hbm>> -> memref<10000x64xf32, #tpu.memory_space<hbm>>
    tpu.enqueue_indirect_dma source(%dma_start3A_53 : memref<10000x64xf32, #tpu.memory_space<hbm>>) target(%arg15 : memref<80x64xf32, #tpu.memory_space<vmem>>) offsets(%dma_start3A_50 : memref<80xi32, #tpu.memory_space<vmem>>) semaphore(%arg19 : memref<!tpu.dma_semaphore, #tpu.memory_space<semaphore_mem>>)
    %dma_start3A_54 = arith.constant 1 : i32
    %dma_start3A_55 = arith.constant 0 : i32
    %dma_start3A_56 = tpu.memref_slice %arg11[%dma_start3A_54, %dma_start3A_55] : memref<128x80xi32, #tpu.memory_space<vmem>> -> memref<1x80xi32, #tpu.memory_space<vmem>>
    %dma_start3A_57 = tpu.memref_squeeze %dma_start3A_56 : memref<1x80xi32, #tpu.memory_space<vmem>> -> memref<80xi32, #tpu.memory_space<vmem>>
    %dma_start3A_58 = arith.constant 0 : i32
    %dma_start3A_59 = arith.constant 0 : i32
    %dma_start3A_60 = tpu.memref_slice %arg2[%dma_start3A_58, %dma_start3A_59] : memref<10000x64xf32, #tpu.memory_space<hbm>> -> memref<10000x64xf32, #tpu.memory_space<hbm>>
    tpu.enqueue_indirect_dma source(%dma_start3A_60 : memref<10000x64xf32, #tpu.memory_space<hbm>>) target(%arg16 : memref<80x64xf32, #tpu.memory_space<vmem>>) offsets(%dma_start3A_57 : memref<80xi32, #tpu.memory_space<vmem>>) semaphore(%arg20 : memref<!tpu.dma_semaphore, #tpu.memory_space<semaphore_mem>>)
    %scan3A_61 = arith.constant 0 : i32
    %scan3A_62 = arith.constant 0 : i32
    %scan3A_63 = arith.constant 62 : i32
    %scan3A_64 = arith.addi %scan3A_62, %scan3A_63 : i32
    %scan3A_65 = arith.constant 1 : i32
    %scan3A_66 = scf.for %scan3A_95 = %scan3A_62 to %scan3A_64 step %scan3A_65 iter_args(%scan3A_96 = %scan3A_61) -> (i32)  : i32 {
      %mul3A_97 = arith.constant 2 : i32
      %mul3A_98 = arith.muli %mul3A_97, %scan3A_95 : i32
      %mul3A_99 = arith.constant 2 : i32
      %mul3A_100 = arith.muli %mul3A_99, %scan3A_95 : i32
      %add3A_101 = arith.constant 1 : i32
      %add3A_102 = arith.addi %mul3A_100, %add3A_101 : i32
      %dma_wait3A_103 = arith.constant 0 : i32
      %dma_wait3A_104 = tpu.memref_slice %arg11[%mul3A_98, %dma_wait3A_103] : memref<128x80xi32, #tpu.memory_space<vmem>> -> memref<1x80xi32, #tpu.memory_space<vmem>>
      %dma_wait3A_105 = tpu.memref_squeeze %dma_wait3A_104 : memref<1x80xi32, #tpu.memory_space<vmem>> -> memref<80xi32, #tpu.memory_space<vmem>>
      %dma_wait3A_106 = arith.constant 0 : i32
      %dma_wait3A_107 = arith.constant 0 : i32
      %dma_wait3A_108 = tpu.memref_slice %arg2[%dma_wait3A_106, %dma_wait3A_107] : memref<10000x64xf32, #tpu.memory_space<hbm>> -> memref<10000x64xf32, #tpu.memory_space<hbm>>
      tpu.wait_indirect_dma semaphore(%arg19 : memref<!tpu.dma_semaphore, #tpu.memory_space<semaphore_mem>>) src(%dma_wait3A_108 : memref<10000x64xf32, #tpu.memory_space<hbm>>) dst(%arg15 : memref<80x64xf32, #tpu.memory_space<vmem>>)
      %mul3A_109 = arith.constant 80 : i32
      %mul3A_110 = arith.muli %mul3A_98, %mul3A_109 : i32
      %scan3A_111 = arith.constant 0 : i32
      %scan3A_112 = arith.constant 0 : i32
      %scan3A_113 = arith.constant 80 : i32
      %scan3A_114 = arith.addi %scan3A_112, %scan3A_113 : i32
      %scan3A_115 = arith.constant 1 : i32
      %scan3A_116 = scf.for %scan3A_150 = %scan3A_112 to %scan3A_114 step %scan3A_115 iter_args(%scan3A_151 = %scan3A_111) -> (i32)  : i32 {
        %add3A_152 = arith.addi %mul3A_110, %scan3A_150 : i32
        %add3A_153 = vector.broadcast %add3A_152 : i32 to vector<16xi32>
        %add3A_154 = arith.addi %broadcast_in_dim3A_7, %add3A_153 : vector<16xi32>
        %gather3A = tpu.vector_load_idx %arg13[%add3A_154] : memref<10240xf32, #tpu.memory_space<vmem>>[vector<16xi32>], vector<16xf32>,
        %get3A = arith.index_cast %scan3A_150 : i32 to index
        %get3A_155 = arith.constant 0 : index
        %get3A_156 = tpu.vector_load %arg15[%get3A, %get3A_155] {strides = array<i32>} : memref<80x64xf32, #tpu.memory_space<vmem>>, vector<16xf32>,
        %mul3A_157 = arith.mulf %get3A_156, %gather3A : vector<16xf32>
        %swap3A = arith.index_cast %scan3A_150 : i32 to index
        %swap3A_158 = arith.constant 0 : index
        %swap3A_159 = tpu.vector_load %arg15[%swap3A, %swap3A_158] {strides = array<i32>} : memref<80x64xf32, #tpu.memory_space<vmem>>, vector<16xf32>,
        tpu.vector_store %arg15[%swap3A, %swap3A_158], %mul3A_157 {strides = array<i32>} : memref<80x64xf32, #tpu.memory_space<vmem>>, vector<16xf32>,
        %get3A_160 = arith.index_cast %scan3A_150 : i32 to index
        %get3A_161 = arith.constant 16 : index
        %get3A_162 = tpu.vector_load %arg15[%get3A_160, %get3A_161] {strides = array<i32>} : memref<80x64xf32, #tpu.memory_space<vmem>>, vector<16xf32>,
        %mul3A_163 = arith.mulf %get3A_162, %gather3A : vector<16xf32>
        %swap3A_164 = arith.index_cast %scan3A_150 : i32 to index
        %swap3A_165 = arith.constant 16 : index
        %swap3A_166 = tpu.vector_load %arg15[%swap3A_164, %swap3A_165] {strides = array<i32>} : memref<80x64xf32, #tpu.memory_space<vmem>>, vector<16xf32>,
        tpu.vector_store %arg15[%swap3A_164, %swap3A_165], %mul3A_163 {strides = array<i32>} : memref<80x64xf32, #tpu.memory_space<vmem>>, vector<16xf32>,
        %get3A_167 = arith.index_cast %scan3A_150 : i32 to index
        %get3A_168 = arith.constant 32 : index
        %get3A_169 = tpu.vector_load %arg15[%get3A_167, %get3A_168] {strides = array<i32>} : memref<80x64xf32, #tpu.memory_space<vmem>>, vector<16xf32>,
        %mul3A_170 = arith.mulf %get3A_169, %gather3A : vector<16xf32>
        %swap3A_171 = arith.index_cast %scan3A_150 : i32 to index
        %swap3A_172 = arith.constant 32 : index
        %swap3A_173 = tpu.vector_load %arg15[%swap3A_171, %swap3A_172] {strides = array<i32>} : memref<80x64xf32, #tpu.memory_space<vmem>>, vector<16xf32>,
        tpu.vector_store %arg15[%swap3A_171, %swap3A_172], %mul3A_170 {strides = array<i32>} : memref<80x64xf32, #tpu.memory_space<vmem>>, vector<16xf32>,
        %get3A_174 = arith.index_cast %scan3A_150 : i32 to index
        %get3A_175 = arith.constant 48 : index
        %get3A_176 = tpu.vector_load %arg15[%get3A_174, %get3A_175] {strides = array<i32>} : memref<80x64xf32, #tpu.memory_space<vmem>>, vector<16xf32>,
        %mul3A_177 = arith.mulf %get3A_176, %gather3A : vector<16xf32>
        %swap3A_178 = arith.index_cast %scan3A_150 : i32 to index
        %swap3A_179 = arith.constant 48 : index
        %swap3A_180 = tpu.vector_load %arg15[%swap3A_178, %swap3A_179] {strides = array<i32>} : memref<80x64xf32, #tpu.memory_space<vmem>>, vector<16xf32>,
        tpu.vector_store %arg15[%swap3A_178, %swap3A_179], %mul3A_177 {strides = array<i32>} : memref<80x64xf32, #tpu.memory_space<vmem>>, vector<16xf32>,
        %scan3A_181 = arith.constant 0 : i32
        scf.yield %scan3A_181 : i32
      }
      %scan3A_117 = arith.constant 80 : i32
      "tpu.region"() ({
        %run_scoped3A_150 = tpu.sem_alloc : memref<!tpu.dma_semaphore, #tpu.memory_space<semaphore_mem>>
        %dma_start3A_151 = arith.constant 0 : i32
        %dma_start3A_152 = tpu.memref_slice %arg12[%mul3A_98, %dma_start3A_151] : memref<128x80xi32, #tpu.memory_space<vmem>> -> memref<1x80xi32, #tpu.memory_space<vmem>>
        %dma_start3A_153 = tpu.memref_squeeze %dma_start3A_152 : memref<1x80xi32, #tpu.memory_space<vmem>> -> memref<80xi32, #tpu.memory_space<vmem>>
        %dma_start3A_154 = arith.constant 0 : i32
        %dma_start3A_155 = arith.constant 0 : i32
        %dma_start3A_156 = tpu.memref_slice %arg18[%dma_start3A_154, %dma_start3A_155] : memref<10240x64xf32, #tpu.memory_space<vmem_shared>> -> memref<10240x64xf32, #tpu.memory_space<vmem_shared>>
        tpu.enqueue_indirect_dma source(%arg15 : memref<80x64xf32, #tpu.memory_space<vmem>>) target(%dma_start3A_156 : memref<10240x64xf32, #tpu.memory_space<vmem_shared>>) offsets(%dma_start3A_153 : memref<80xi32, #tpu.memory_space<vmem>>) semaphore(%run_scoped3A_150 : memref<!tpu.dma_semaphore, #tpu.memory_space<semaphore_mem>>) {add = true}
        %dma_wait3A_157 = arith.constant 0 : i32
        %dma_wait3A_158 = tpu.memref_slice %arg12[%mul3A_98, %dma_wait3A_157] : memref<128x80xi32, #tpu.memory_space<vmem>> -> memref<1x80xi32, #tpu.memory_space<vmem>>
        %dma_wait3A_159 = tpu.memref_squeeze %dma_wait3A_158 : memref<1x80xi32, #tpu.memory_space<vmem>> -> memref<80xi32, #tpu.memory_space<vmem>>
        %dma_wait3A_160 = arith.constant 0 : i32
        %dma_wait3A_161 = arith.constant 0 : i32
        %dma_wait3A_162 = tpu.memref_slice %arg18[%dma_wait3A_160, %dma_wait3A_161] : memref<10240x64xf32, #tpu.memory_space<vmem_shared>> -> memref<10240x64xf32, #tpu.memory_space<vmem_shared>>
        tpu.wait_indirect_dma semaphore(%run_scoped3A_150 : memref<!tpu.dma_semaphore, #tpu.memory_space<semaphore_mem>>) src(%arg15 : memref<80x64xf32, #tpu.memory_space<vmem>>) dst(%dma_wait3A_162 : memref<10240x64xf32, #tpu.memory_space<vmem_shared>>)
        tpu.yield
      }) : () -> ()
      %add3A_118 = arith.constant 2 : i32
      %add3A_119 = arith.addi %mul3A_98, %add3A_118 : i32
      %dma_start3A_120 = arith.constant 0 : i32
      %dma_start3A_121 = tpu.memref_slice %arg11[%add3A_119, %dma_start3A_120] : memref<128x80xi32, #tpu.memory_space<vmem>> -> memref<1x80xi32, #tpu.memory_space<vmem>>
      %dma_start3A_122 = tpu.memref_squeeze %dma_start3A_121 : memref<1x80xi32, #tpu.memory_space<vmem>> -> memref<80xi32, #tpu.memory_space<vmem>>
      %dma_start3A_123 = arith.constant 0 : i32
      %dma_start3A_124 = arith.constant 0 : i32
      %dma_start3A_125 = tpu.memref_slice %arg2[%dma_start3A_123, %dma_start3A_124] : memref<10000x64xf32, #tpu.memory_space<hbm>> -> memref<10000x64xf32, #tpu.memory_space<hbm>>
      tpu.enqueue_indirect_dma source(%dma_start3A_125 : memref<10000x64xf32, #tpu.memory_space<hbm>>) target(%arg15 : memref<80x64xf32, #tpu.memory_space<vmem>>) offsets(%dma_start3A_122 : memref<80xi32, #tpu.memory_space<vmem>>) semaphore(%arg19 : memref<!tpu.dma_semaphore, #tpu.memory_space<semaphore_mem>>)
      %dma_wait3A_126 = arith.constant 0 : i32
      %dma_wait3A_127 = tpu.memref_slice %arg11[%add3A_102, %dma_wait3A_126] : memref<128x80xi32, #tpu.memory_space<vmem>> -> memref<1x80xi32, #tpu.memory_space<vmem>>
      %dma_wait3A_128 = tpu.memref_squeeze %dma_wait3A_127 : memref<1x80xi32, #tpu.memory_space<vmem>> -> memref<80xi32, #tpu.memory_space<vmem>>
      %dma_wait3A_129 = arith.constant 0 : i32
      %dma_wait3A_130 = arith.constant 0 : i32
      %dma_wait3A_131 = tpu.memref_slice %arg2[%dma_wait3A_129, %dma_wait3A_130] : memref<10000x64xf32, #tpu.memory_space<hbm>> -> memref<10000x64xf32, #tpu.memory_space<hbm>>
      tpu.wait_indirect_dma semaphore(%arg20 : memref<!tpu.dma_semaphore, #tpu.memory_space<semaphore_mem>>) src(%dma_wait3A_131 : memref<10000x64xf32, #tpu.memory_space<hbm>>) dst(%arg16 : memref<80x64xf32, #tpu.memory_space<vmem>>)
      %mul3A_132 = arith.constant 80 : i32
      %mul3A_133 = arith.muli %add3A_102, %mul3A_132 : i32
      %scan3A_134 = arith.constant 0 : i32
      %scan3A_135 = arith.constant 0 : i32
      %scan3A_136 = arith.constant 80 : i32
      %scan3A_137 = arith.addi %scan3A_135, %scan3A_136 : i32
      %scan3A_138 = arith.constant 1 : i32
      %scan3A_139 = scf.for %scan3A_150 = %scan3A_135 to %scan3A_137 step %scan3A_138 iter_args(%scan3A_151 = %scan3A_134) -> (i32)  : i32 {
        %add3A_152 = arith.addi %mul3A_133, %scan3A_150 : i32
        %add3A_153 = vector.broadcast %add3A_152 : i32 to vector<16xi32>
        %add3A_154 = arith.addi %broadcast_in_dim3A_7, %add3A_153 : vector<16xi32>
        %gather3A = tpu.vector_load_idx %arg13[%add3A_154] : memref<10240xf32, #tpu.memory_space<vmem>>[vector<16xi32>], vector<16xf32>,
        %get3A = arith.index_cast %scan3A_150 : i32 to index
        %get3A_155 = arith.constant 0 : index
        %get3A_156 = tpu.vector_load %arg16[%get3A, %get3A_155] {strides = array<i32>} : memref<80x64xf32, #tpu.memory_space<vmem>>, vector<16xf32>,
        %mul3A_157 = arith.mulf %get3A_156, %gather3A : vector<16xf32>
        %swap3A = arith.index_cast %scan3A_150 : i32 to index
        %swap3A_158 = arith.constant 0 : index
        %swap3A_159 = tpu.vector_load %arg16[%swap3A, %swap3A_158] {strides = array<i32>} : memref<80x64xf32, #tpu.memory_space<vmem>>, vector<16xf32>,
        tpu.vector_store %arg16[%swap3A, %swap3A_158], %mul3A_157 {strides = array<i32>} : memref<80x64xf32, #tpu.memory_space<vmem>>, vector<16xf32>,
        %get3A_160 = arith.index_cast %scan3A_150 : i32 to index
        %get3A_161 = arith.constant 16 : index
        %get3A_162 = tpu.vector_load %arg16[%get3A_160, %get3A_161] {strides = array<i32>} : memref<80x64xf32, #tpu.memory_space<vmem>>, vector<16xf32>,
        %mul3A_163 = arith.mulf %get3A_162, %gather3A : vector<16xf32>
        %swap3A_164 = arith.index_cast %scan3A_150 : i32 to index
        %swap3A_165 = arith.constant 16 : index
        %swap3A_166 = tpu.vector_load %arg16[%swap3A_164, %swap3A_165] {strides = array<i32>} : memref<80x64xf32, #tpu.memory_space<vmem>>, vector<16xf32>,
        tpu.vector_store %arg16[%swap3A_164, %swap3A_165], %mul3A_163 {strides = array<i32>} : memref<80x64xf32, #tpu.memory_space<vmem>>, vector<16xf32>,
        %get3A_167 = arith.index_cast %scan3A_150 : i32 to index
        %get3A_168 = arith.constant 32 : index
        %get3A_169 = tpu.vector_load %arg16[%get3A_167, %get3A_168] {strides = array<i32>} : memref<80x64xf32, #tpu.memory_space<vmem>>, vector<16xf32>,
        %mul3A_170 = arith.mulf %get3A_169, %gather3A : vector<16xf32>
        %swap3A_171 = arith.index_cast %scan3A_150 : i32 to index
        %swap3A_172 = arith.constant 32 : index
        %swap3A_173 = tpu.vector_load %arg16[%swap3A_171, %swap3A_172] {strides = array<i32>} : memref<80x64xf32, #tpu.memory_space<vmem>>, vector<16xf32>,
        tpu.vector_store %arg16[%swap3A_171, %swap3A_172], %mul3A_170 {strides = array<i32>} : memref<80x64xf32, #tpu.memory_space<vmem>>, vector<16xf32>,
        %get3A_174 = arith.index_cast %scan3A_150 : i32 to index
        %get3A_175 = arith.constant 48 : index
        %get3A_176 = tpu.vector_load %arg16[%get3A_174, %get3A_175] {strides = array<i32>} : memref<80x64xf32, #tpu.memory_space<vmem>>, vector<16xf32>,
        %mul3A_177 = arith.mulf %get3A_176, %gather3A : vector<16xf32>
        %swap3A_178 = arith.index_cast %scan3A_150 : i32 to index
        %swap3A_179 = arith.constant 48 : index
        %swap3A_180 = tpu.vector_load %arg16[%swap3A_178, %swap3A_179] {strides = array<i32>} : memref<80x64xf32, #tpu.memory_space<vmem>>, vector<16xf32>,
        tpu.vector_store %arg16[%swap3A_178, %swap3A_179], %mul3A_177 {strides = array<i32>} : memref<80x64xf32, #tpu.memory_space<vmem>>, vector<16xf32>,
        %scan3A_181 = arith.constant 0 : i32
        scf.yield %scan3A_181 : i32
      }
      %scan3A_140 = arith.constant 80 : i32
      "tpu.region"() ({
        %run_scoped3A_150 = tpu.sem_alloc : memref<!tpu.dma_semaphore, #tpu.memory_space<semaphore_mem>>
        %dma_start3A_151 = arith.constant 0 : i32
        %dma_start3A_152 = tpu.memref_slice %arg12[%add3A_102, %dma_start3A_151] : memref<128x80xi32, #tpu.memory_space<vmem>> -> memref<1x80xi32, #tpu.memory_space<vmem>>
        %dma_start3A_153 = tpu.memref_squeeze %dma_start3A_152 : memref<1x80xi32, #tpu.memory_space<vmem>> -> memref<80xi32, #tpu.memory_space<vmem>>
        %dma_start3A_154 = arith.constant 0 : i32
        %dma_start3A_155 = arith.constant 0 : i32
        %dma_start3A_156 = tpu.memref_slice %arg18[%dma_start3A_154, %dma_start3A_155] : memref<10240x64xf32, #tpu.memory_space<vmem_shared>> -> memref<10240x64xf32, #tpu.memory_space<vmem_shared>>
        tpu.enqueue_indirect_dma source(%arg16 : memref<80x64xf32, #tpu.memory_space<vmem>>) target(%dma_start3A_156 : memref<10240x64xf32, #tpu.memory_space<vmem_shared>>) offsets(%dma_start3A_153 : memref<80xi32, #tpu.memory_space<vmem>>) semaphore(%run_scoped3A_150 : memref<!tpu.dma_semaphore, #tpu.memory_space<semaphore_mem>>) {add = true}
        %dma_wait3A_157 = arith.constant 0 : i32
        %dma_wait3A_158 = tpu.memref_slice %arg12[%add3A_102, %dma_wait3A_157] : memref<128x80xi32, #tpu.memory_space<vmem>> -> memref<1x80xi32, #tpu.memory_space<vmem>>
        %dma_wait3A_159 = tpu.memref_squeeze %dma_wait3A_158 : memref<1x80xi32, #tpu.memory_space<vmem>> -> memref<80xi32, #tpu.memory_space<vmem>>
        %dma_wait3A_160 = arith.constant 0 : i32
        %dma_wait3A_161 = arith.constant 0 : i32
        %dma_wait3A_162 = tpu.memref_slice %arg18[%dma_wait3A_160, %dma_wait3A_161] : memref<10240x64xf32, #tpu.memory_space<vmem_shared>> -> memref<10240x64xf32, #tpu.memory_space<vmem_shared>>
        tpu.wait_indirect_dma semaphore(%run_scoped3A_150 : memref<!tpu.dma_semaphore, #tpu.memory_space<semaphore_mem>>) src(%arg16 : memref<80x64xf32, #tpu.memory_space<vmem>>) dst(%dma_wait3A_162 : memref<10240x64xf32, #tpu.memory_space<vmem_shared>>)
        tpu.yield
      }) : () -> ()
      %add3A_141 = arith.constant 2 : i32
      %add3A_142 = arith.addi %add3A_102, %add3A_141 : i32
      %dma_start3A_143 = arith.constant 0 : i32
      %dma_start3A_144 = tpu.memref_slice %arg11[%add3A_142, %dma_start3A_143] : memref<128x80xi32, #tpu.memory_space<vmem>> -> memref<1x80xi32, #tpu.memory_space<vmem>>
      %dma_start3A_145 = tpu.memref_squeeze %dma_start3A_144 : memref<1x80xi32, #tpu.memory_space<vmem>> -> memref<80xi32, #tpu.memory_space<vmem>>
      %dma_start3A_146 = arith.constant 0 : i32
      %dma_start3A_147 = arith.constant 0 : i32
      %dma_start3A_148 = tpu.memref_slice %arg2[%dma_start3A_146, %dma_start3A_147] : memref<10000x64xf32, #tpu.memory_space<hbm>> -> memref<10000x64xf32, #tpu.memory_space<hbm>>
      tpu.enqueue_indirect_dma source(%dma_start3A_148 : memref<10000x64xf32, #tpu.memory_space<hbm>>) target(%arg16 : memref<80x64xf32, #tpu.memory_space<vmem>>) offsets(%dma_start3A_145 : memref<80xi32, #tpu.memory_space<vmem>>) semaphore(%arg20 : memref<!tpu.dma_semaphore, #tpu.memory_space<semaphore_mem>>)
      %scan3A_149 = arith.constant 0 : i32
      scf.yield %scan3A_149 : i32
    }
    %scan3A_67 = arith.constant 62 : i32
    %dma_wait3A = arith.constant 124 : i32
    %dma_wait3A_68 = arith.constant 0 : i32
    %dma_wait3A_69 = tpu.memref_slice %arg11[%dma_wait3A, %dma_wait3A_68] : memref<128x80xi32, #tpu.memory_space<vmem>> -> memref<1x80xi32, #tpu.memory_space<vmem>>
    %dma_wait3A_70 = tpu.memref_squeeze %dma_wait3A_69 : memref<1x80xi32, #tpu.memory_space<vmem>> -> memref<80xi32, #tpu.memory_space<vmem>>
    %dma_wait3A_71 = arith.constant 0 : i32
    %dma_wait3A_72 = arith.constant 0 : i32
    %dma_wait3A_73 = tpu.memref_slice %arg2[%dma_wait3A_71, %dma_wait3A_72] : memref<10000x64xf32, #tpu.memory_space<hbm>> -> memref<10000x64xf32, #tpu.memory_space<hbm>>
    tpu.wait_indirect_dma semaphore(%arg19 : memref<!tpu.dma_semaphore, #tpu.memory_space<semaphore_mem>>) src(%dma_wait3A_73 : memref<10000x64xf32, #tpu.memory_space<hbm>>) dst(%arg15 : memref<80x64xf32, #tpu.memory_space<vmem>>)
    %scan3A_74 = arith.constant 0 : i32
    %scan3A_75 = arith.constant 0 : i32
    %scan3A_76 = arith.constant 80 : i32
    %scan3A_77 = arith.addi %scan3A_75, %scan3A_76 : i32
    %scan3A_78 = arith.constant 1 : i32
    %scan3A_79 = scf.for %scan3A_95 = %scan3A_75 to %scan3A_77 step %scan3A_78 iter_args(%scan3A_96 = %scan3A_74) -> (i32)  : i32 {
      %add3A_97 = arith.constant 9920 : i32
      %add3A_98 = arith.addi %add3A_97, %scan3A_95 : i32
      %add3A_99 = vector.broadcast %add3A_98 : i32 to vector<16xi32>
      %add3A_100 = arith.addi %broadcast_in_dim3A_7, %add3A_99 : vector<16xi32>
      %gather3A = tpu.vector_load_idx %arg13[%add3A_100] : memref<10240xf32, #tpu.memory_space<vmem>>[vector<16xi32>], vector<16xf32>,
      %get3A = arith.index_cast %scan3A_95 : i32 to index
      %get3A_101 = arith.constant 0 : index
      %get3A_102 = tpu.vector_load %arg15[%get3A, %get3A_101] {strides = array<i32>} : memref<80x64xf32, #tpu.memory_space<vmem>>, vector<16xf32>,
      %mul3A_103 = arith.mulf %get3A_102, %gather3A : vector<16xf32>
      %swap3A = arith.index_cast %scan3A_95 : i32 to index
      %swap3A_104 = arith.constant 0 : index
      %swap3A_105 = tpu.vector_load %arg15[%swap3A, %swap3A_104] {strides = array<i32>} : memref<80x64xf32, #tpu.memory_space<vmem>>, vector<16xf32>,
      tpu.vector_store %arg15[%swap3A, %swap3A_104], %mul3A_103 {strides = array<i32>} : memref<80x64xf32, #tpu.memory_space<vmem>>, vector<16xf32>,
      %get3A_106 = arith.index_cast %scan3A_95 : i32 to index
      %get3A_107 = arith.constant 16 : index
      %get3A_108 = tpu.vector_load %arg15[%get3A_106, %get3A_107] {strides = array<i32>} : memref<80x64xf32, #tpu.memory_space<vmem>>, vector<16xf32>,
      %mul3A_109 = arith.mulf %get3A_108, %gather3A : vector<16xf32>
      %swap3A_110 = arith.index_cast %scan3A_95 : i32 to index
      %swap3A_111 = arith.constant 16 : index
      %swap3A_112 = tpu.vector_load %arg15[%swap3A_110, %swap3A_111] {strides = array<i32>} : memref<80x64xf32, #tpu.memory_space<vmem>>, vector<16xf32>,
      tpu.vector_store %arg15[%swap3A_110, %swap3A_111], %mul3A_109 {strides = array<i32>} : memref<80x64xf32, #tpu.memory_space<vmem>>, vector<16xf32>,
      %get3A_113 = arith.index_cast %scan3A_95 : i32 to index
      %get3A_114 = arith.constant 32 : index
      %get3A_115 = tpu.vector_load %arg15[%get3A_113, %get3A_114] {strides = array<i32>} : memref<80x64xf32, #tpu.memory_space<vmem>>, vector<16xf32>,
      %mul3A_116 = arith.mulf %get3A_115, %gather3A : vector<16xf32>
      %swap3A_117 = arith.index_cast %scan3A_95 : i32 to index
      %swap3A_118 = arith.constant 32 : index
      %swap3A_119 = tpu.vector_load %arg15[%swap3A_117, %swap3A_118] {strides = array<i32>} : memref<80x64xf32, #tpu.memory_space<vmem>>, vector<16xf32>,
      tpu.vector_store %arg15[%swap3A_117, %swap3A_118], %mul3A_116 {strides = array<i32>} : memref<80x64xf32, #tpu.memory_space<vmem>>, vector<16xf32>,
      %get3A_120 = arith.index_cast %scan3A_95 : i32 to index
      %get3A_121 = arith.constant 48 : index
      %get3A_122 = tpu.vector_load %arg15[%get3A_120, %get3A_121] {strides = array<i32>} : memref<80x64xf32, #tpu.memory_space<vmem>>, vector<16xf32>,
      %mul3A_123 = arith.mulf %get3A_122, %gather3A : vector<16xf32>
      %swap3A_124 = arith.index_cast %scan3A_95 : i32 to index
      %swap3A_125 = arith.constant 48 : index
      %swap3A_126 = tpu.vector_load %arg15[%swap3A_124, %swap3A_125] {strides = array<i32>} : memref<80x64xf32, #tpu.memory_space<vmem>>, vector<16xf32>,
      tpu.vector_store %arg15[%swap3A_124, %swap3A_125], %mul3A_123 {strides = array<i32>} : memref<80x64xf32, #tpu.memory_space<vmem>>, vector<16xf32>,
      %scan3A_127 = arith.constant 0 : i32
      scf.yield %scan3A_127 : i32
    }
    %scan3A_80 = arith.constant 80 : i32
    %run_scoped3A = arith.constant 124 : i32
    "tpu.region"() ({
      %run_scoped3A_95 = tpu.sem_alloc : memref<!tpu.dma_semaphore, #tpu.memory_space<semaphore_mem>>
      %dma_start3A_96 = arith.constant 0 : i32
      %dma_start3A_97 = tpu.memref_slice %arg12[%run_scoped3A, %dma_start3A_96] : memref<128x80xi32, #tpu.memory_space<vmem>> -> memref<1x80xi32, #tpu.memory_space<vmem>>
      %dma_start3A_98 = tpu.memref_squeeze %dma_start3A_97 : memref<1x80xi32, #tpu.memory_space<vmem>> -> memref<80xi32, #tpu.memory_space<vmem>>
      %dma_start3A_99 = arith.constant 0 : i32
      %dma_start3A_100 = arith.constant 0 : i32
      %dma_start3A_101 = tpu.memref_slice %arg18[%dma_start3A_99, %dma_start3A_100] : memref<10240x64xf32, #tpu.memory_space<vmem_shared>> -> memref<10240x64xf32, #tpu.memory_space<vmem_shared>>
      tpu.enqueue_indirect_dma source(%arg15 : memref<80x64xf32, #tpu.memory_space<vmem>>) target(%dma_start3A_101 : memref<10240x64xf32, #tpu.memory_space<vmem_shared>>) offsets(%dma_start3A_98 : memref<80xi32, #tpu.memory_space<vmem>>) semaphore(%run_scoped3A_95 : memref<!tpu.dma_semaphore, #tpu.memory_space<semaphore_mem>>) {add = true}
      %dma_wait3A_102 = arith.constant 0 : i32
      %dma_wait3A_103 = tpu.memref_slice %arg12[%run_scoped3A, %dma_wait3A_102] : memref<128x80xi32, #tpu.memory_space<vmem>> -> memref<1x80xi32, #tpu.memory_space<vmem>>
      %dma_wait3A_104 = tpu.memref_squeeze %dma_wait3A_103 : memref<1x80xi32, #tpu.memory_space<vmem>> -> memref<80xi32, #tpu.memory_space<vmem>>
      %dma_wait3A_105 = arith.constant 0 : i32
      %dma_wait3A_106 = arith.constant 0 : i32
      %dma_wait3A_107 = tpu.memref_slice %arg18[%dma_wait3A_105, %dma_wait3A_106] : memref<10240x64xf32, #tpu.memory_space<vmem_shared>> -> memref<10240x64xf32, #tpu.memory_space<vmem_shared>>
      tpu.wait_indirect_dma semaphore(%run_scoped3A_95 : memref<!tpu.dma_semaphore, #tpu.memory_space<semaphore_mem>>) src(%arg15 : memref<80x64xf32, #tpu.memory_space<vmem>>) dst(%dma_wait3A_107 : memref<10240x64xf32, #tpu.memory_space<vmem_shared>>)
      tpu.yield
    }) : () -> ()
    %dma_wait3A_81 = arith.constant 125 : i32
    %dma_wait3A_82 = arith.constant 0 : i32
    %dma_wait3A_83 = tpu.memref_slice %arg11[%dma_wait3A_81, %dma_wait3A_82] : memref<128x80xi32, #tpu.memory_space<vmem>> -> memref<1x80xi32, #tpu.memory_space<vmem>>
    %dma_wait3A_84 = tpu.memref_squeeze %dma_wait3A_83 : memref<1x80xi32, #tpu.memory_space<vmem>> -> memref<80xi32, #tpu.memory_space<vmem>>
    %dma_wait3A_85 = arith.constant 0 : i32
    %dma_wait3A_86 = arith.constant 0 : i32
    %dma_wait3A_87 = tpu.memref_slice %arg2[%dma_wait3A_85, %dma_wait3A_86] : memref<10000x64xf32, #tpu.memory_space<hbm>> -> memref<10000x64xf32, #tpu.memory_space<hbm>>
    tpu.wait_indirect_dma semaphore(%arg20 : memref<!tpu.dma_semaphore, #tpu.memory_space<semaphore_mem>>) src(%dma_wait3A_87 : memref<10000x64xf32, #tpu.memory_space<hbm>>) dst(%arg16 : memref<80x64xf32, #tpu.memory_space<vmem>>)
    %mul3A_88 = arith.constant 10240 : i32
    %mul3A_89 = arith.muli %add3A, %mul3A_88 : i32
    "tpu.region"() ({
      %run_scoped3A_95 = tpu.sem_alloc : memref<!tpu.dma_semaphore, #tpu.memory_space<semaphore_mem>>
      %dma_start3A_96 = tpu.memref_slice %arg8[%mul3A_89] : memref<327680xf32, #tpu.memory_space<hbm>> -> memref<10240xf32, #tpu.memory_space<hbm>>
      %dma_start3A_97 = tpu.memref_slice %arg8[%mul3A_89] : memref<327680xf32, #tpu.memory_space<hbm>> -> memref<10240xf32, #tpu.memory_space<hbm>>
      tpu.enqueue_dma source(%arg14 : memref<10240xf32, #tpu.memory_space<vmem>>) target(%dma_start3A_97 : memref<10240xf32, #tpu.memory_space<hbm>>) target_semaphore(%run_scoped3A_95 : memref<!tpu.dma_semaphore, #tpu.memory_space<semaphore_mem>>)
      %dma_wait3A_98 = tpu.memref_slice %arg8[%mul3A_89] : memref<327680xf32, #tpu.memory_space<hbm>> -> memref<10240xf32, #tpu.memory_space<hbm>>
      %dma_wait3A_99 = tpu.memref_slice %arg8[%mul3A_89] : memref<327680xf32, #tpu.memory_space<hbm>> -> memref<10240xf32, #tpu.memory_space<hbm>>
      tpu.wait_dma2 semaphore(%run_scoped3A_95 : memref<!tpu.dma_semaphore, #tpu.memory_space<semaphore_mem>>) src(%arg14 : memref<10240xf32, #tpu.memory_space<vmem>>) dst(%dma_wait3A_99 : memref<10240xf32, #tpu.memory_space<hbm>>)
      tpu.yield
    }) : () -> ()
    %barrier3A_90 = arith.constant 0 : index
    tpu.barrier barrier_id(%barrier3A_90)
    %mul3A_91 = arith.constant 640 : i32
    %mul3A_92 = arith.muli %arg1, %mul3A_91 : i32
    %mul3A_93 = arith.constant 640 : i32
    %mul3A_94 = arith.muli %arg1, %mul3A_93 : i32
    "tpu.region"() ({
      %run_scoped3A_95 = tpu.sem_alloc : memref<!tpu.dma_semaphore, #tpu.memory_space<semaphore_mem>>
      %dma_start3A_96 = arith.constant 0 : i32
      %dma_start3A_97 = arith.constant 0 : i32
      %dma_start3A_98 = tpu.memref_slice %arg7[%arg0, %dma_start3A_96, %dma_start3A_97] : memref<2x10240x64xf32, #tpu.memory_space<hbm>> -> memref<1x10240x64xf32, #tpu.memory_space<hbm>>
      %dma_start3A_99 = tpu.memref_squeeze %dma_start3A_98 : memref<1x10240x64xf32, #tpu.memory_space<hbm>> -> memref<10240x64xf32, #tpu.memory_space<hbm>>
      %dma_start3A_100 = arith.constant 0 : i32
      %dma_start3A_101 = tpu.memref_slice %dma_start3A_99[%mul3A_94, %dma_start3A_100] : memref<10240x64xf32, #tpu.memory_space<hbm>> -> memref<640x64xf32, #tpu.memory_space<hbm>>
      %dma_start3A_102 = arith.constant 0 : i32
      %dma_start3A_103 = tpu.memref_slice %arg18[%mul3A_92, %dma_start3A_102] : memref<10240x64xf32, #tpu.memory_space<vmem_shared>> -> memref<640x64xf32, #tpu.memory_space<vmem_shared>>
      tpu.enqueue_dma source(%dma_start3A_103 : memref<640x64xf32, #tpu.memory_space<vmem_shared>>) target(%dma_start3A_101 : memref<640x64xf32, #tpu.memory_space<hbm>>) target_semaphore(%run_scoped3A_95 : memref<!tpu.dma_semaphore, #tpu.memory_space<semaphore_mem>>)
      %dma_wait3A_104 = arith.constant 0 : i32
      %dma_wait3A_105 = arith.constant 0 : i32
      %dma_wait3A_106 = tpu.memref_slice %arg7[%arg0, %dma_wait3A_104, %dma_wait3A_105] : memref<2x10240x64xf32, #tpu.memory_space<hbm>> -> memref<1x10240x64xf32, #tpu.memory_space<hbm>>
      %dma_wait3A_107 = tpu.memref_squeeze %dma_wait3A_106 : memref<1x10240x64xf32, #tpu.memory_space<hbm>> -> memref<10240x64xf32, #tpu.memory_space<hbm>>
      %dma_wait3A_108 = arith.constant 0 : i32
      %dma_wait3A_109 = tpu.memref_slice %dma_wait3A_107[%mul3A_94, %dma_wait3A_108] : memref<10240x64xf32, #tpu.memory_space<hbm>> -> memref<640x64xf32, #tpu.memory_space<hbm>>
      %dma_wait3A_110 = arith.constant 0 : i32
      %dma_wait3A_111 = tpu.memref_slice %arg18[%mul3A_92, %dma_wait3A_110] : memref<10240x64xf32, #tpu.memory_space<vmem_shared>> -> memref<640x64xf32, #tpu.memory_space<vmem_shared>>
      tpu.wait_dma2 semaphore(%run_scoped3A_95 : memref<!tpu.dma_semaphore, #tpu.memory_space<semaphore_mem>>) src(%dma_wait3A_111 : memref<640x64xf32, #tpu.memory_space<vmem_shared>>) dst(%dma_wait3A_109 : memref<640x64xf32, #tpu.memory_space<hbm>>)
      tpu.yield
    }) : () -> ()
    return
  }
}

</mosaic_0001>

<sc_bundles>
// kernel: _sc_agg.3.cloned.1.call-start
scs
__scs_entry_jumppad:
0x0: {  	(pc) =	sbr.rel $0x88, $3  }
0x1: {  	(tag) =	ssettag $0x0;
	lr =	simm.s32 $0x1  }
0x2: {  	[smem:$0x3F9C] =	sst lr;
	_ =	strace $0xD0000000  }
0x3: {  	_ = 	snop  }
0x4: {  	_ = 	snop  }
0x5: {  	_ = 	snop  }
0x6: {  	_ = 	snop  }
0x7: {  	_ = 	snop  }
__scs_overlays_trampoline_lowered:
0x8: {  	[smem:$0x3FAB] =	sst s0  }
0x9: {  	[smem:$0x3FAC] =	sst s1  }
0xa: {  	[smem:$0x3FAD] =	sst s2  }
0xb: {  	[smem:$0x3FAE] =	sst s3  }
0xc: {  	[smem:$0x3FAF] =	sst s4  }
0xd: {  	[smem:$0x3FB0] =	sst s5  }
0xe: {  	[smem:$0x3FB1] =	sst s6  }
0xf: {  	[smem:$0x3FB2] =	sst s7  }
0x10: {  	[smem:$0x3FB3] =	sst s8  }
0x11: {  	[smem:$0x3FB4] =	sst s9;
	s0 =	simm.s32 @!p0 $0x0  }
0x12: {  	s1 =	sld [smem:$0x3F9A];
	s0 =	simm.s32 @p0 $0x1  }
0x13: {  	[smem:$0x3FB5] =	sst s0;
	s0 =	simm.s32 @!p1 $0x0  }
0x14: {  	s2 =	sld [smem:$0x3F99];
	s0 =	simm.s32 @p1 $0x1  }
0x15: {  	[smem:$0x3FB6] =	sst s0;
	s0 =	simm.s32 @!p2 $0x0  }
0x16: {  	s3 =	sld [smem:$0x3FDB];
	s0 =	simm.s32 @p2 $0x1  }
0x17: {  	s4 =	simm.s32 $0x1BF5;
	[smem:$0x3FB8] =	sst s0  }
0x18: {  	s0 =	sld [smem:$0x3F9B];
	_ =	swait.ge [sflag:s4], $0x0  }
0x19: {  	s7 =	sld [smem:$0x3F9C]  }
0x1a: {  	s8 =	sadd.s32 $0xFFFFE003, lr  }
0x1b: {  	s9 =	sadd.s32 $0xFFFFFEF7, lr;
	s5 =	simm.s32 $0xFFFFFFFF;
	p2 =	slt.u32 s8, $0xFFFFF086  }
0x1c: {  	p1 =	slt.u32 s9, $0xF7A;
	s5 =	simm.s32 @!p2 $0x0  }
0x1d: {  	s5 =	simm.s32 @p1 $0x1;
	p0 =	seq.s32 s7, s2  }
0x1e: {  	s7 =	smul.u32 @!p0 $0xF7A, s2;
	p2 =	seq.s32 @!p0 s5, $0x0  }
0x1f: {  	s9 =	smul.u32 $0xF7A, s1;
	s8 =	simm.s32 @!p0 $0x1BF5;
	p2 =	por !p2, p0  }
0x20: {  	[sflag:s8] =	ssyncset.s32 @!p0 $0xFFFFF086;
	s6 =	sadd.s32 @!p0 s3, s7;
	s7 =	simm.s32 @!p0 $0x108  }
0x21: {  	s3 =	sadd.s32 s3, s9;
	s6 =	sadd.s32 @!p0 $0x88, s6;
	s7 =	simm.s32 @p2 $0x1082  }
0x22: {  	[simem:s7], [sflag:s8] =	dma.local @!p0 [hbm:s6], $0xF7A  }
0x23: {  	s9 =	sor.u32 $0xD0000000, s2;
	s6 =	simm.s32 $0x108;
	_ =	swait.ge @!p0 [sflag:s8], $0x0  }
0x24: {  	s3 =	sadd.s32 $0x88, s3;
	s6 =	simm.s32 @!p1 $0x1082;
	[sflag:s4] =	ssyncset.s32 $0xFFFFF086  }
0x25: {  	[simem:s6], [sflag:s4] =	dma.local [hbm:s3], $0xF7A  }
0x26: {  	[smem:$0x3F9C] =	sst s1;
	(tag) =	ssettag s2;
	_ =	strace s9  }
0x27: {  	s1 =	sld [smem:$0x3FAC]  }
0x28: {  	s2 =	sld [smem:$0x3FAD]  }
0x29: {  	s4 =	sld [smem:$0x3FAF]  }
0x2a: {  	p0 =	seq.s32 s5, $0x0;
	s5 =	sld [smem:$0x3FB0]  }
0x2b: {  	s6 =	sld [smem:$0x3FB1]  }
0x2c: {  	s7 =	sld [smem:$0x3FB2]  }
0x2d: {  	s3 =	simm.s32 $0x108;
	s8 =	sld [smem:$0x3FB3]  }
0x2e: {  	s3 =	simm.s32 @!p0 $0x1082;
	s9 =	sld [smem:$0x3FB4]  }
0x2f: {  	lr =	sadd.s32 s0, s3;
	s0 =	sld [smem:$0x3FAB]  }
0x30: {  	s3 =	sld [smem:$0x3FAE]  }
0x31: {  	[smem:$0x3FB7] =	sst s10  }
0x32: {  	s10 =	sld [smem:$0x3FB5];
	_ =	sdelay $0x3  }
0x33: {  	p0 =	seq.s32 s10, $0x1;
	s10 =	sld [smem:$0x3FB7];
	_ =	sdelay $0x3  }
0x34: {  	[smem:$0x3FB7] =	sst s10  }
0x35: {  	s10 =	sld [smem:$0x3FB6];
	_ =	sdelay $0x3  }
0x36: {  	p1 =	seq.s32 s10, $0x1;
	s10 =	sld [smem:$0x3FB7];
	_ =	sdelay $0x3  }
0x37: {  	[smem:$0x3FB7] =	sst s10  }
0x38: {  	s10 =	sld [smem:$0x3FB8]  }
0x39: {  	_ = 	snop;
	(pc) =	sbr.ind lr, $3  }
0x3a: {  	_ = 	snop  }
0x3b: {  	_ = 	snop  }
0x3c: {  	p2 =	seq.s32 s10, $0x1;
	s10 =	sld [smem:$0x3FB7]  }
0x3d: {  	_ =	shalt  }
0x3e: {  	_ =	shalt  }
0x3f: {  	_ =	shalt  }
0x40: {  	_ =	shalt  }
0x41: {  	_ =	shalt  }
0x42: {  	_ =	shalt  }
0x43: {  	_ =	shalt  }
0x44: {  	_ =	shalt  }
0x45: {  	_ =	shalt  }
0x46: {  	_ =	shalt  }
0x47: {  	_ =	shalt  }
0x48: {  	_ =	shalt  }
0x49: {  	_ =	shalt  }
0x4a: {  	_ =	shalt  }
0x4b: {  	_ =	shalt  }
0x4c: {  	_ =	shalt  }
0x4d: {  	_ =	shalt  }
0x4e: {  	_ =	shalt  }
0x4f: {  	_ =	shalt  }
0x50: {  	_ =	shalt  }
0x51: {  	_ =	shalt  }
0x52: {  	_ =	shalt  }
0x53: {  	_ =	shalt  }
0x54: {  	_ =	shalt  }
0x55: {  	_ =	shalt  }
0x56: {  	_ =	shalt  }
0x57: {  	_ =	shalt  }
0x58: {  	_ =	shalt  }
0x59: {  	_ =	shalt  }
0x5a: {  	_ =	shalt  }
0x5b: {  	_ =	shalt  }
0x5c: {  	_ =	shalt  }
0x5d: {  	_ =	shalt  }
0x5e: {  	_ =	shalt  }
0x5f: {  	_ =	shalt  }
0x60: {  	_ =	shalt  }
0x61: {  	_ =	shalt  }
0x62: {  	_ =	shalt  }
0x63: {  	_ =	shalt  }
0x64: {  	_ =	shalt  }
0x65: {  	_ =	shalt  }
0x66: {  	_ =	shalt  }
0x67: {  	_ =	shalt  }
0x68: {  	_ =	shalt  }
0x69: {  	_ =	shalt  }
0x6a: {  	_ =	shalt  }
0x6b: {  	_ =	shalt  }
0x6c: {  	_ =	shalt  }
0x6d: {  	_ =	shalt  }
0x6e: {  	_ =	shalt  }
0x6f: {  	_ =	shalt  }
0x70: {  	_ =	shalt  }
0x71: {  	_ =	shalt  }
0x72: {  	_ =	shalt  }
0x73: {  	_ =	shalt  }
0x74: {  	_ =	shalt  }
0x75: {  	_ =	shalt  }
0x76: {  	_ =	shalt  }
0x77: {  	_ =	shalt  }
0x78: {  	_ =	shalt  }
0x79: {  	_ =	shalt  }
0x7a: {  	_ =	shalt  }
0x7b: {  	_ =	shalt  }
0x7c: {  	_ =	shalt  }
0x7d: {  	_ =	shalt  }
0x7e: {  	_ =	shalt  }
0x7f: {  	_ =	shalt  }
0x80: {  	_ =	shalt  }
0x81: {  	_ =	shalt  }
0x82: {  	_ =	shalt  }
0x83: {  	_ =	shalt  }
0x84: {  	_ =	shalt  }
0x85: {  	_ =	shalt  }
0x86: {  	_ =	shalt  }
0x87: {  	_ =	shalt  }
.Lfunc_end0:
.L_simem_size_0:
called_computation_lowered:
.L_overlay_start_0:
0x88: {  	s2 =	sld [smem:$0x3FD9]  }
0x89: {  	s3 =	sld [smem:$0x3FFE];
	_ =	sdelay $0x1  }
0x8a: {  	s1 =	srdreg.scid  }
0x8b: {  	s0 =	sand.u32 $0x1, s1  }
0x8c: {  	s14 =	sshll.u32 s0, $0xA;
	s2 =	sadd.s32 s3, s2  }
0x8d: {  	s2 =	sadd.s32 s2, s14  }
0x8e: {  	[smem:$0x3FC3] =	sst s2  }
0x8f: {  	_ = 	snop  }
0x90: {  	s2 =	sld [smem:$0x3FD0];
	_ =	sdelay $0x1  }
0x91: {  	s15 =	sld [smem:$0x3FC6]  }
0x92: {  	s5 =	simm.s32 $0xA;
	s6 =	simm.s32 $0x10;
	s4 =	sld [smem:$0x3FC5]  }
0x93: {  	[smem:s6], [sflag:s5] =	dma.local [hbm:s2], $0x1  }
0x94: {  	_ =	swait.eq [sflag:s5], $0x1  }
0x95: {  	[sflag:s5] =	ssyncset.done $0x0  }
0x96: {  	s16 =	sld [smem:$0x10];
	[sflag:s5] =	ssyncadd.s32 $0xFFFFFFFF  }
0x97: {  	s17 =	sld [smem:$0x11];
	(tm) =	ssettm $0x1  }
0x98: {  	s18 =	sld [smem:$0x3FFB];
	_ =	sdelay $0x3  }
0x99: {  	_ =	strace s18  }
0x9a: {  	s6 =	sld [smem:$0x3FFC];
	_ =	sdelay $0x3  }
0x9b: {  	_ =	strace s6  }
0x9c: {  	s6 =	sld [smem:$0x3FFD];
	_ =	sdelay $0x3  }
0x9d: {  	_ =	strace s6  }
0x9e: {  	_ =	strace $0x8FFFFFFF  }
0x9f: {  	s19 =	sld [smem:$0x3FDB];
	_ =	sdelay $0x1  }
0xa0: {  	s7 =	simm.s32 $_scs_section_size  }
0xa1: {  	s8 =	simm.s32 $_size__tile_overlayer_lowered;
	s9 =	simm.s32 $_tile_overlayer_lowered  }
0xa2: {  	s22 =	simm.s32 $0x1BFF;
	s21 =	sshll.u32 s9, $0x1;
	s6 =	sadd.s32 s7, s19  }
0xa3: {  	s10 =	simm.s32 $0x0;
	s20 =	sshll.u32 s8, $0x1;
	s8 =	sadd.s32 s21, s6  }
0xa4: {  	[timem:s10], [sflag:s22] =	dma.local [hbm:s8], s20  }
0xa5: {  	_ =	swait.ge [sflag:s22], s20  }
0xa6: {  	s7 =	ssub.s32 $0x0, s20;
	[sflag:s22] =	ssyncset.done $0x0  }
0xa7: {  	[sflag:s22] =	ssyncadd.s32 s7;
	_ =	sdelay $0x1  }
0xa8: {  	s23 =	simm.s32 $0x1B8B  }
0xa9: {  	_ =	swait.ge [sflag:s23], $0x1  }
0xaa: {  	[sflag:s23] =	ssyncset.done $0x0  }
0xab: {  	s25 =	simm.s32 $0x1B8E;
	s24 =	sld [smem:$0x3FFE];
	[sflag:s23] =	ssyncadd.s32 $0xFFFFFFFF  }
0xac: {  	s26 =	simm.s32 $execute0_lowered;
	[smem:$0x3FD2] =	sst s25  }
0xad: {  	s8 =	sshll.u32 s26, $0x1;
	_ =	strace $0x80000046;
	[dreg:$0x1] =	wrdreg $0xFFFFFFFF  }
0xae: {  	s28 =	simm.s32 $_size_execute0_lowered;
	s6 =	sadd.s32 s6, s8;
	[dreg:$0x0] =	wrdreg $0x0  }
0xaf: {  	s8 =	sshll.u32 s28, $0x1;
	[dreg:$0x2] =	wrdreg s6  }
0xb0: {  	[dreg:$0x3] =	wrdreg s8  }
0xb1: {  	[dreg:$0x4] =	wrdreg $0xC0  }
0xb2: {  	_ =	task [dreg:s10], $0x5FFFF  }
0xb3: {  	[dreg:$0x1] =	wrdreg $0xFFFFFFFF  }
0xb4: {  	[dreg:$0x0] =	wrdreg $0x60  }
0xb5: {  	[dreg:$0x2] =	wrdreg s24  }
0xb6: {  	[dreg:$0x3] =	wrdreg s15  }
0xb7: {  	[dreg:$0x4] =	wrdreg s4  }
0xb8: {  	[dreg:$0x5] =	wrdreg s16  }
0xb9: {  	[dreg:$0x6] =	wrdreg s17  }
0xba: {  	[dreg:$0x7] =	wrdreg $0x136200  }
0xbb: {  	[dreg:$0x8] =	wrdreg $0x9  }
0xbc: {  	_ =	task.clear_ibuf [dreg:s10], $0x9FFFF;
	_ =	strace $0x90000046  }
0xbd: {  	s29 =	simm.s32 $0x9;
	_ =	strace $0x80000048  }
0xbe: {  	_ =	swait.ge [sflag:s29], $0x1  }
0xbf: {  	[sflag:s29] =	ssyncadd.s32 $0xFFFFFFFF  }
0xc0: {  	_ =	strace $0x90000048  }
0xc1: {  	_ =	sfence  }
0xc2: {  	s30 =	sld [smem:$0x0];
	_ =	sdelay $0x2  }
0xc3: {  	s31 =	sshll.u32 s1, $0xD;
	s1 =	sshrl.u32 s1, $0x2  }
0xc4: {  	s3 =	sand.u32 $0x4000, s31;
	s1 =	sadd.s32 s1, s30  }
0xc5: {  	s0 =	sor.u32 s3, s0;
	s1 =	sshll.u32 s1, $0x11  }
0xc6: {  	s0 =	sor.u32 s1, s0  }
0xc7: {  	s0 =	sadd.s32 $0x8F2B, s0  }
0xc8: {  	[sflag:s0] =	ssyncadd.remote.s32 $0x1  }
0xc9: {  	_ =	sfence.sel $0xFFFF  }
0xca: {  	[dreg:$0x0] =	wrdreg $0xFFFFFFFF;
	(pc) =	sbr.abs _section_cstart, $3  }
0xcb: {  	[dreg:$0x1] =	wrdreg $0xFFFFFFFF  }
0xcc: {  	_ =	task.clear_ibuf [dreg:s10], $0x2FFFF;
	_ =	strace $0x9FFFFFFF  }
0xcd: {  	(tm) =	ssettm $0x7FFFFFFF  }
tec
execute0_lowered:
.L_overlay_start_1:
0x0: {  	(tag) =	ssettag $0x1  }
0x1: {  	s0 =	rddreg [dreg:$0x0]  }
0x2: {  	s1 =	rddreg [dreg:$0x3]  }
0x3: {  	s2 =	rddreg [dreg:$0x4]  }
0x4: {  	s4 =	rddreg [dreg:$0x5];
	s3 =	srdreg.scid  }
0x5: {  	s11 =	stileid.u32;
	s5 =	simm.s32 $0x0;
	s16 =	simm.s32 $0x4E20  }
0x6: {  	s17 =	simm.s32 $0x3;
	s19 =	simm.s32 $0x2710;
	s20 =	simm.s32 $0x11620  }
0x7: {  	s21 =	simm.s32 $0xC620;
	s22 =	simm.s32 $0xEE20;
	s28 =	simm.s32 $0x9E20  }
0x8: {  	s29 =	simm.s32 $0x50;
	s3 =	sand.u32 $0x1, s3;
	s10 =	smul.u32 $0x28000, s11  }
0x9: {  	s6 =	sshll.u32 s11, $0x1;
	[smem:$0x7FF] =	sst s5;
	s15 =	smul.u32 $0xA000, s11  }
0xa: {  	s6 =	sor.u32 s3, s6;
	s8 =	ssub.s32 $0x2, s3;
	s3 =	smul.u32 $0x14000, s3  }
0xb: {  	s30 =	simm.s32 $0x2;
	_ =	strace $0x80000047;
	s7 =	smul.u32 $0x500, s6  }
0xc: {  	s6 =	sadd.s32 $0x14C00, s0;
	s9 =	sshrl.u32 s8, $0x1;
	s24 =	sshrl.u32 s10, $0x2  }
0xd: {  	s31 =	sshrl.u32 s15, $0x3;
	s8 =	ssub.s32 s8, s9;
	s0 =	sadd.s32 s7, s0  }
0xe: {  	s9 =	sadd.s32 s15, s4;
	s26 =	sadd.s32 s1, s3;
	s23 =	sadd.s32 $0xC00, s0  }
0xf: {  	s14 =	sadd.s32 s2, s7;
	s0 =	sadd.s32 $0xAC00, s0;
	[dreg:$0x7] =	wrdreg s23  }
0x10: {  	s15 =	smax.u32 s8, $0x1;
	[dreg:$0x8] =	wrdreg s0;
	s0 =	sadd.s32 s24, s4  }
0x11: {  	s24 =	sadd.s32 s31, s26;
	s26 =	simm.s32 $0x1;
	s25 =	sadd.s32 $0x2000, s0  }
0x12: {  	s11 =	sadd.s32 $0x4000, s0;
	s12 =	sadd.s32 $0x6000, s0;
	s13 =	sadd.s32 $0x8000, s0  }
0x13: {  	v0 =	vimm.f32 $0.0e+00;
	s0 =	simm.s32 $0x0;
	[dreg:$0x9] =	wrdreg s25;
	s25 =	simm.s32 $0x10220  }
.LBB2_1:
0x14: {  	s1 =	rddreg [dreg:$0x7]  }
0x15: {  	[tilespmem:s16], [sflag:$0x3] =	stream.linear.gather [hbm4b:s1+s5], $0x2800, $0x38;
	[tilespmem:$0x1D620] =	vst v63  }
0x16: {  	_ =	swait.ge [sflag:s17], $0x2800  }
0x17: {  	[sflag:s17] =	ssyncset.done $0x0  }
0x18: {  	s2 =	simm.s32 $0x7620;
	s18 =	rddreg [dreg:$0x8];
	[sflag:s17] =	ssyncadd.s32 $0xFFFFD800  }
0x19: {  	[tilespmem:s2], [sflag:$0x3] =	stream.linear.gather [hbm4b:s18+s5], $0x2800, $0x38;
	[tilespmem:$0x1D620] =	vst v63  }
0x1a: {  	_ =	swait.ge [sflag:s17], $0x2800  }
0x1b: {  	[sflag:s17] =	ssyncset.done $0x0  }
0x1c: {  	[sflag:s17] =	ssyncadd.s32 $0xFFFFD800  }
0x1d: {  	s23 =	rddreg [dreg:$0x1]  }
0x1e: {  	[tilespmem:s5], [sflag:$0x3] =	stream.linear.gather [hbm4b:s23+s5], $0x2710, $0x38;
	[tilespmem:$0x1D620] =	vst v63  }
0x1f: {  	_ =	swait.ge [sflag:s17], $0x2710  }
0x20: {  	[sflag:s17] =	ssyncset.done $0x0  }
0x21: {  	[sflag:s17] =	ssyncadd.s32 $0xFFFFD8F0  }
0x22: {  	s31 =	rddreg [dreg:$0x2]  }
0x23: {  	[tilespmem:s19], [sflag:$0x3] =	stream.linear.gather [hbm4b:s31+s5], $0x2710, $0x38;
	[tilespmem:$0x1D620] =	vst v63  }
0x24: {  	_ =	swait.ge [sflag:s17], $0x2710  }
0x25: {  	[sflag:s17] =	ssyncset.done $0x0  }
0x26: {  	s1 =	simm.s32 $0x0;
	[sflag:s17] =	ssyncadd.s32 $0xFFFFD8F0  }
.LBB2_2:
0x27: {  	p0 =	sne.s32 s1, $0x9FC0  }
.Ltmp0:
0x28: {  	_ = 	snop;
	(pc) =	sbr.rel @p0 .LBB2_2-.Ltmp0, $3  }
0x29: {  	_ =	sdelay $0x1  }
0x2a: {  	s2 =	sshra.s32 s1, $0x2  }
0x2b: {  	s1 =	sadd.s32 $0x40, s1;
	[tilespmem:s2+$0xC620] =	vst v0  }
0x2c: {  	s2 =	simm.s32 $0x100;
	s1 =	simm.s32 $0x0  }
.LBB2_4:
0x2d: {  	p0 =	sne.s32 s2, $0x7F00;
	[tilespmem:s1+$0x11650] =	vst v0;
	s3 =	smov.u32 s2;
	s2 =	sadd.s32 $0x100, s2  }
.Ltmp1:
0x2e: {  	[tilespmem:s1+$0x11640] =	vst v0;
	(pc) =	sbr.rel @p0 .LBB2_4-.Ltmp1, $3  }
0x2f: {  	[tilespmem:s1+$0x11620] =	vst v0  }
0x30: {  	[tilespmem:s1+$0x11630] =	vst v0;
	_ =	sdelay $0x1  }
0x31: {  	s1 =	sshra.s32 s3, $0x2  }
0x32: {  	[tilespmem:s1+$0x11650] =	vst v0  }
0x33: {  	[tilespmem:s1+$0x11640] =	vst v0  }
0x34: {  	[tilespmem:s1+$0x11620] =	vst v0  }
0x35: {  	[tilespmem:s1+$0x11630] =	vst v0  }
0x36: {  	[spmem:s9] =	stream.linear.scatter [tilespmem:s20], [sflag:$0x3], $0x2000, $0x38;
	[tilespmem:$0x1D620] =	vst v63  }
0x37: {  	_ =	swait.ge [sflag:s17], $0x2000  }
0x38: {  	[sflag:s17] =	ssyncset.done $0x0  }
0x39: {  	s31 =	rddreg [dreg:$0x9];
	[sflag:s17] =	ssyncadd.s32 $0xFFFFE000  }
0x3a: {  	[spmem:s31] =	stream.linear.scatter [tilespmem:s20], [sflag:$0x3], $0x2000, $0x38;
	[tilespmem:$0x1D620] =	vst v63  }
0x3b: {  	_ =	swait.ge [sflag:s17], $0x2000  }
0x3c: {  	[sflag:s17] =	ssyncset.done $0x0  }
0x3d: {  	[sflag:s17] =	ssyncadd.s32 $0xFFFFE000  }
0x3e: {  	[spmem:s11] =	stream.linear.scatter [tilespmem:s20], [sflag:$0x3], $0x2000, $0x38;
	[tilespmem:$0x1D620] =	vst v63  }
0x3f: {  	_ =	swait.ge [sflag:s17], $0x2000  }
0x40: {  	[sflag:s17] =	ssyncset.done $0x0  }
0x41: {  	[sflag:s17] =	ssyncadd.s32 $0xFFFFE000  }
0x42: {  	[spmem:s12] =	stream.linear.scatter [tilespmem:s20], [sflag:$0x3], $0x2000, $0x38;
	[tilespmem:$0x1D620] =	vst v63  }
0x43: {  	_ =	swait.ge [sflag:s17], $0x2000  }
0x44: {  	[sflag:s17] =	ssyncset.done $0x0  }
0x45: {  	[sflag:s17] =	ssyncadd.s32 $0xFFFFE000  }
0x46: {  	[spmem:s13] =	stream.linear.scatter [tilespmem:s20], [sflag:$0x3], $0x2000, $0x38;
	[tilespmem:$0x1D620] =	vst v63  }
0x47: {  	_ =	swait.ge [sflag:s17], $0x2000  }
0x48: {  	[sflag:s17] =	ssyncset.done $0x0  }
0x49: {  	[sflag:s17] =	ssyncadd.s32 $0xFFFFE000  }
0x4a: {  	s1 =	simm.s32 $0x100;
	[bflag:$0x0] =	sbarrier.arrive $0xFFFF  }
.LBB2_6:
0x4b: {  	s2 =	sshra.s32 s1, $0x2  }
0x4c: {  	v1 =	vld [tilespmem:s2+$0x4DE0]  }
0x4d: {  	v2 =	vld [tilespmem:s2+$0x75E0];
	_ =	sdelay $0x6  }
0x4e: {  	v1 =	vld.idx.msk [tilespmem:v1+s5+$0x0], $0xffff  }
0x4f: {  	v3 =	vld.idx.msk [tilespmem:v2+s19+$0x0], $0xffff;
	_ =	sdelay $0x4  }
0x50: {  	v1 =	vadd.f32 v3, v1;
	_ =	sdelay $0x1  }
0x51: {  	v3 =	vmul.f32 $1.000000010e-01, v1  }
0x52: {  	vm0 =	vgt.f32 v1, $0.0e+00  }
0x53: {  	v1 =	vsel vm0, v1, v3  }
0x54: {  	v1 =	vmul.f32 $1.442695020e+00, v1;
	_ =	sdelay $0x1  }
0x55: {  	(erf) = vpow2.f32 v1;
	_ =	sdelay $0x8  }
0x56: {  	v1 =	vpop (erf)  }
0x57: {  	[tilespmem:s2+$0x9DE0] =	vst v1  }
0x58: {  	[tilespmem:v2+s21+$0x0] =	vst.idx.add.f32.msk $0xffff, v1  }
0x59: {  	v1 =	vld [tilespmem:s2+$0x4DF0]  }
0x5a: {  	v2 =	vld [tilespmem:s2+$0x75F0];
	_ =	sdelay $0x6  }
0x5b: {  	v1 =	vld.idx.msk [tilespmem:v1+s5+$0x0], $0xffff  }
0x5c: {  	v3 =	vld.idx.msk [tilespmem:v2+s19+$0x0], $0xffff;
	_ =	sdelay $0x4  }
0x5d: {  	v1 =	vadd.f32 v3, v1;
	_ =	sdelay $0x1  }
0x5e: {  	v3 =	vmul.f32 $1.000000010e-01, v1  }
0x5f: {  	vm12 =	vgt.f32 v1, $0.0e+00  }
0x60: {  	v1 =	vsel vm12, v1, v3  }
0x61: {  	v1 =	vmul.f32 $1.442695020e+00, v1;
	_ =	sdelay $0x1  }
0x62: {  	(erf) = vpow2.f32 v1;
	_ =	sdelay $0x8  }
0x63: {  	v1 =	vpop (erf)  }
0x64: {  	[tilespmem:s2+$0x9DF0] =	vst v1  }
0x65: {  	[tilespmem:v2+s21+$0x0] =	vst.idx.add.f32.msk $0xffff, v1  }
0x66: {  	v1 =	vld [tilespmem:s2+$0x4E00]  }
0x67: {  	v2 =	vld [tilespmem:s2+$0x7600];
	_ =	sdelay $0x6  }
0x68: {  	v1 =	vld.idx.msk [tilespmem:v1+s5+$0x0], $0xffff  }
0x69: {  	v3 =	vld.idx.msk [tilespmem:v2+s19+$0x0], $0xffff;
	_ =	sdelay $0x4  }
0x6a: {  	v1 =	vadd.f32 v3, v1;
	_ =	sdelay $0x1  }
0x6b: {  	v3 =	vmul.f32 $1.000000010e-01, v1  }
0x6c: {  	vm13 =	vgt.f32 v1, $0.0e+00  }
0x6d: {  	v1 =	vsel vm13, v1, v3  }
0x6e: {  	v1 =	vmul.f32 $1.442695020e+00, v1;
	_ =	sdelay $0x1  }
0x6f: {  	(erf) = vpow2.f32 v1;
	_ =	sdelay $0x8  }
0x70: {  	v1 =	vpop (erf)  }
0x71: {  	[tilespmem:s2+$0x9E00] =	vst v1  }
0x72: {  	[tilespmem:v2+s21+$0x0] =	vst.idx.add.f32.msk $0xffff, v1  }
0x73: {  	v1 =	vld [tilespmem:s2+$0x4E10]  }
0x74: {  	v2 =	vld [tilespmem:s2+$0x7610];
	_ =	sdelay $0x6  }
0x75: {  	v1 =	vld.idx.msk [tilespmem:v1+s5+$0x0], $0xffff  }
0x76: {  	v3 =	vld.idx.msk [tilespmem:v2+s19+$0x0], $0xffff;
	_ =	sdelay $0x4  }
0x77: {  	v1 =	vadd.f32 v3, v1;
	_ =	sdelay $0x1  }
0x78: {  	v3 =	vmul.f32 $1.000000010e-01, v1  }
0x79: {  	vm14 =	vgt.f32 v1, $0.0e+00  }
0x7a: {  	v1 =	vsel vm14, v1, v3  }
0x7b: {  	v1 =	vmul.f32 $1.442695020e+00, v1;
	_ =	sdelay $0x1  }
0x7c: {  	(erf) = vpow2.f32 v1;
	_ =	sdelay $0x8  }
0x7d: {  	v1 =	vpop (erf)  }
0x7e: {  	[tilespmem:s2+$0x9E10] =	vst v1  }
0x7f: {  	[tilespmem:v2+s21+$0x0] =	vst.idx.add.f32.msk $0xffff, v1  }
0x80: {  	v1 =	vld [tilespmem:s2+$0x4E20]  }
0x81: {  	v2 =	vld [tilespmem:s2+$0x7620];
	_ =	sdelay $0x6  }
0x82: {  	v1 =	vld.idx.msk [tilespmem:v1+s5+$0x0], $0xffff  }
0x83: {  	v3 =	vld.idx.msk [tilespmem:v2+s19+$0x0], $0xffff;
	_ =	sdelay $0x4  }
0x84: {  	v1 =	vadd.f32 v3, v1;
	_ =	sdelay $0x1  }
0x85: {  	v3 =	vmul.f32 $1.000000010e-01, v1  }
0x86: {  	vm15 =	vgt.f32 v1, $0.0e+00  }
0x87: {  	v1 =	vsel vm15, v1, v3  }
0x88: {  	v1 =	vmul.f32 $1.442695020e+00, v1;
	_ =	sdelay $0x1  }
0x89: {  	(erf) = vpow2.f32 v1;
	_ =	sdelay $0x5  }
0x8a: {  	p0 =	sne.s32 s1, $0x9C00  }
.Ltmp2:
0x8b: {  	_ = 	snop;
	(pc) =	sbr.rel @p0 .LBB2_6-.Ltmp2, $4  }
0x8c: {  	_ = 	snop  }
0x8d: {  	v1 =	vpop (erf)  }
0x8e: {  	[tilespmem:s2+$0x9E20] =	vst v1  }
0x8f: {  	s1 =	sadd.s32 $0x140, s1;
	[tilespmem:v2+s21+$0x0] =	vst.idx.add.f32.msk $0xffff, v1  }
0x90: {  	s1 =	simm.s32 $0x50  }
0x91: {  	[tilespmem:s22], [sflag:$0x1] =	stream.indirect.gather [hbm4b:s6+s1], $0x40, s16, s1, $0xb8;
	[tilespmem:$0x1D620] =	vst v63  }
0x92: {  	s2 =	simm.s32 $0x4E70  }
0x93: {  	[tilespmem:s25], [sflag:$0x2] =	stream.indirect.gather [hbm4b:s6+s1], $0x40, s2, s1, $0xb8;
	[tilespmem:$0x1D620] =	vst v63  }
0x94: {  	s18 =	simm.s32 $0x0;
	s2 =	simm.s32 $0x0  }
.LBB2_8:
0x95: {  	s3 =	sadd.s32 $0x0, s2  }
0x96: {  	_ =	swait.ge [sflag:s26], $0x1400;
	v1 =	vmov s3  }
0x97: {  	[sflag:s26] =	ssyncset.done $0x0  }
0x98: {  	s23 =	simm.s32 $0xEE40;
	[sflag:s26] =	ssyncadd.s32 $0xFFFFEC00  }
0x99: {  	v3 =	vld [tilespmem:s23+$0xFFFFFFF0]  }
0x9a: {  	v4 =	vld [tilespmem:s23+$0x10]  }
0x9b: {  	v6 =	vld.idx.msk [tilespmem:v1+s28+$0x0], $0xffff  }
0x9c: {  	v1 =	vld [tilespmem:s23+$0xFFFFFFE0]  }
0x9d: {  	v7 =	vld [tilespmem:s23+$0x0];
	_ =	sdelay $0x3  }
0x9e: {  	s7 =	sadd.s32 $0x1, s2;
	v2 =	vmul.f32 v1, v6;
	v5 =	vmul.f32 v4, v6  }
0x9f: {  	s31 =	smul.u32 $0xA0, s18;
	s3 =	simm.s32 $0x2;
	v1 =	vmov s7;
	v4 =	vmul.f32 v3, v6;
	v3 =	vmul.f32 v7, v6;
	s7 =	simm.s32 $0xEE40  }
.LBB2_9:
0xa0: {  	p0 =	sne.s32 s3, $0x4F  }
0xa1: {  	[tilespmem:s23+$0x10] =	vst v5;
	s7 =	sadd.s32 $0x40, s7;
	s8 =	smov.u32 s3;
	s3 =	sadd.s32 $0x1, s3  }
0xa2: {  	[tilespmem:s23+$0xFFFFFFE0] =	vst v2  }
0xa3: {  	v6 =	vld [tilespmem:s7+$0xFFFFFFF0];
	[tilespmem:s23+$0xFFFFFFF0] =	vst v4  }
0xa4: {  	v4 =	vld [tilespmem:s7+$0x10];
	[tilespmem:s23+$0x0] =	vst v3;
	s23 =	smov.u32 s7  }
0xa5: {  	v3 =	vld.idx.msk [tilespmem:v1+s28+$0x0], $0xffff  }
0xa6: {  	v1 =	vld [tilespmem:s7+$0xFFFFFFE0]  }
0xa7: {  	v7 =	vld [tilespmem:s7+$0x0]  }
.Ltmp3:
0xa8: {  	(pc) =	sbr.rel @p0 .LBB2_9-.Ltmp3, $3  }
0xa9: {  	_ =	sdelay $0x1  }
0xaa: {  	s8 =	sadd.s32 s8, s2;
	v5 =	vmul.f32 v4, v3;
	v2 =	vmul.f32 v1, v3  }
0xab: {  	v4 =	vmul.f32 v6, v3;
	v1 =	vmov s8;
	v3 =	vmul.f32 v7, v3  }
0xac: {  	[tilespmem:s23+$0x10] =	vst v5  }
0xad: {  	s3 =	sadd.s32 $0x40, s7;
	[tilespmem:s23+$0xFFFFFFE0] =	vst v2  }
0xae: {  	v2 =	vld [tilespmem:s3+$0xFFFFFFF0];
	[tilespmem:s23+$0xFFFFFFF0] =	vst v4  }
0xaf: {  	v4 =	vld [tilespmem:s3+$0x10];
	[tilespmem:s23+$0x0] =	vst v3  }
0xb0: {  	v1 =	vld.idx.msk [tilespmem:v1+s28+$0x0], $0xffff  }
0xb1: {  	v3 =	vld [tilespmem:s3+$0xFFFFFFE0];
	_ =	sdelay $0x1  }
0xb2: {  	v5 =	vld [tilespmem:s3+$0x0];
	_ =	sdelay $0x1  }
0xb3: {  	v4 =	vmul.f32 v4, v1  }
0xb4: {  	v3 =	vmul.f32 v3, v1  }
0xb5: {  	s23 =	smul.u32 $0x280, s18;
	v2 =	vmul.f32 v2, v1;
	[tilespmem:s3+$0x10] =	vst v4  }
0xb6: {  	v1 =	vmul.f32 v5, v1;
	[tilespmem:s3+$0xFFFFFFE0] =	vst v3  }
0xb7: {  	s23 =	sshra.s32 s23, $0x2;
	[tilespmem:s3+$0xFFFFFFF0] =	vst v2  }
0xb8: {  	s7 =	sadd.s32 $0x7620, s23;
	[tilespmem:s3+$0x0] =	vst v1  }
0xb9: {  	[spmem:s4] =	stream.indirect.scatter.add.f32 [tilespmem:s22], [sflag:$0x3], $0x40, s7, s29, $0xb8;
	[tilespmem:$0x1D620] =	vst v63  }
0xba: {  	_ =	swait.ge [sflag:s17], $0x1400  }
0xbb: {  	[sflag:s17] =	ssyncset.done $0x0  }
0xbc: {  	s10 =	sadd.s32 $0x0, s1;
	s8 =	sadd.s32 $0x4EC0, s23;
	[sflag:s17] =	ssyncadd.s32 $0xFFFFEC00  }
0xbd: {  	[tilespmem:s22], [sflag:$0x1] =	stream.indirect.gather [hbm4b:s6+s29], $0x40, s8, s29, $0xb8;
	[tilespmem:$0x1D620] =	vst v63  }
0xbe: {  	v1 =	vmov s10;
	_ =	swait.ge [sflag:s30], $0x1400  }
0xbf: {  	[sflag:s30] =	ssyncset.done $0x0  }
0xc0: {  	s3 =	simm.s32 $0x10240;
	[sflag:s30] =	ssyncadd.s32 $0xFFFFEC00  }
0xc1: {  	v3 =	vld [tilespmem:s3+$0xFFFFFFF0]  }
0xc2: {  	v4 =	vld [tilespmem:s3+$0x10]  }
0xc3: {  	v6 =	vld.idx.msk [tilespmem:v1+s28+$0x0], $0xffff  }
0xc4: {  	v1 =	vld [tilespmem:s3+$0xFFFFFFE0]  }
0xc5: {  	v7 =	vld [tilespmem:s3+$0x0];
	_ =	sdelay $0x3  }
0xc6: {  	s8 =	sadd.s32 $0x1, s1;
	v2 =	vmul.f32 v1, v6;
	v5 =	vmul.f32 v4, v6  }
0xc7: {  	s31 =	sadd.s32 $0x50, s31;
	s7 =	simm.s32 $0x2;
	v1 =	vmov s8;
	v4 =	vmul.f32 v3, v6;
	v3 =	vmul.f32 v7, v6;
	s8 =	simm.s32 $0x10240  }
.LBB2_11:
0xc8: {  	p0 =	sne.s32 s7, $0x4F  }
0xc9: {  	[tilespmem:s3+$0x10] =	vst v5;
	s8 =	sadd.s32 $0x40, s8;
	s10 =	smov.u32 s7;
	s7 =	sadd.s32 $0x1, s7  }
0xca: {  	[tilespmem:s3+$0xFFFFFFE0] =	vst v2  }
0xcb: {  	v6 =	vld [tilespmem:s8+$0xFFFFFFF0];
	[tilespmem:s3+$0xFFFFFFF0] =	vst v4  }
0xcc: {  	v4 =	vld [tilespmem:s8+$0x10];
	[tilespmem:s3+$0x0] =	vst v3;
	s3 =	smov.u32 s8  }
0xcd: {  	v3 =	vld.idx.msk [tilespmem:v1+s28+$0x0], $0xffff  }
0xce: {  	v1 =	vld [tilespmem:s8+$0xFFFFFFE0]  }
0xcf: {  	v7 =	vld [tilespmem:s8+$0x0]  }
.Ltmp4:
0xd0: {  	(pc) =	sbr.rel @p0 .LBB2_11-.Ltmp4, $3  }
0xd1: {  	_ =	sdelay $0x1  }
0xd2: {  	s10 =	sadd.s32 s10, s1;
	v5 =	vmul.f32 v4, v3;
	v2 =	vmul.f32 v1, v3  }
0xd3: {  	v4 =	vmul.f32 v6, v3;
	v1 =	vmov s10;
	v3 =	vmul.f32 v7, v3  }
0xd4: {  	[tilespmem:s3+$0x10] =	vst v5  }
0xd5: {  	s7 =	sadd.s32 $0x40, s8;
	[tilespmem:s3+$0xFFFFFFE0] =	vst v2  }
0xd6: {  	v2 =	vld [tilespmem:s7+$0xFFFFFFF0];
	[tilespmem:s3+$0xFFFFFFF0] =	vst v4  }
0xd7: {  	v4 =	vld [tilespmem:s7+$0x10];
	[tilespmem:s3+$0x0] =	vst v3  }
0xd8: {  	v1 =	vld.idx.msk [tilespmem:v1+s28+$0x0], $0xffff  }
0xd9: {  	v3 =	vld [tilespmem:s7+$0xFFFFFFE0];
	_ =	sdelay $0x1  }
0xda: {  	v5 =	vld [tilespmem:s7+$0x0];
	_ =	sdelay $0x1  }
0xdb: {  	v4 =	vmul.f32 v4, v1  }
0xdc: {  	v3 =	vmul.f32 v3, v1  }
0xdd: {  	v2 =	vmul.f32 v2, v1;
	[tilespmem:s7+$0x10] =	vst v4  }
0xde: {  	v1 =	vmul.f32 v5, v1;
	[tilespmem:s7+$0xFFFFFFE0] =	vst v3  }
0xdf: {  	s18 =	sadd.s32 $0x1, s18;
	[tilespmem:s7+$0xFFFFFFF0] =	vst v2  }
0xe0: {  	s10 =	sadd.s32 $0x7620, s31;
	p0 =	sne.s32 s18, $0x3E;
	[tilespmem:s7+$0x0] =	vst v1  }
0xe1: {  	[spmem:s4] =	stream.indirect.scatter.add.f32 [tilespmem:s25], [sflag:$0x3], $0x40, s10, s29, $0xb8;
	[tilespmem:$0x1D620] =	vst v63  }
.Ltmp5:
0xe2: {  	_ = 	snop;
	(pc) =	sbr.rel @p0 .LBB2_8-.Ltmp5, $4  }
0xe3: {  	_ =	swait.ge [sflag:s17], $0x1400  }
0xe4: {  	s31 =	sadd.s32 $0x4F10, s23;
	[sflag:s17] =	ssyncset.done $0x0  }
0xe5: {  	s2 =	sadd.s32 $0xA0, s2;
	s1 =	sadd.s32 $0xA0, s1;
	[sflag:s17] =	ssyncadd.s32 $0xFFFFEC00  }
0xe6: {  	[tilespmem:s25], [sflag:$0x2] =	stream.indirect.gather [hbm4b:s6+s29], $0x40, s31, s29, $0xb8;
	[tilespmem:$0x1D620] =	vst v63  }
0xe7: {  	s1 =	simm.s32 $0x26C0  }
0xe8: {  	_ =	swait.ge [sflag:s26], $0x1400;
	v1 =	vmov s1  }
0xe9: {  	[sflag:s26] =	ssyncset.done $0x0  }
0xea: {  	s1 =	simm.s32 $0xEE40;
	[sflag:s26] =	ssyncadd.s32 $0xFFFFEC00  }
0xeb: {  	v3 =	vld [tilespmem:s1+$0xFFFFFFF0]  }
0xec: {  	v4 =	vld [tilespmem:s1+$0x10]  }
0xed: {  	v6 =	vld.idx.msk [tilespmem:v1+s28+$0x0], $0xffff  }
0xee: {  	v1 =	vld [tilespmem:s1+$0xFFFFFFE0]  }
0xef: {  	v7 =	vld [tilespmem:s1+$0x0];
	_ =	sdelay $0x3  }
0xf0: {  	s3 =	simm.s32 $0x26C1;
	v2 =	vmul.f32 v1, v6;
	v5 =	vmul.f32 v4, v6  }
0xf1: {  	s2 =	simm.s32 $0x26C2;
	v1 =	vmov s3;
	v4 =	vmul.f32 v3, v6;
	v3 =	vmul.f32 v7, v6;
	s3 =	simm.s32 $0xEE40  }
.LBB2_14:
0xf2: {  	p0 =	sne.s32 s2, $0x270F  }
0xf3: {  	[tilespmem:s1+$0x10] =	vst v5;
	s3 =	sadd.s32 $0x40, s3;
	s7 =	smov.u32 s2;
	s2 =	sadd.s32 $0x1, s2  }
0xf4: {  	[tilespmem:s1+$0xFFFFFFE0] =	vst v2  }
0xf5: {  	v6 =	vld [tilespmem:s3+$0xFFFFFFF0];
	[tilespmem:s1+$0xFFFFFFF0] =	vst v4  }
0xf6: {  	v4 =	vld [tilespmem:s3+$0x10];
	[tilespmem:s1+$0x0] =	vst v3;
	s1 =	smov.u32 s3  }
0xf7: {  	v3 =	vld.idx.msk [tilespmem:v1+s28+$0x0], $0xffff  }
0xf8: {  	v1 =	vld [tilespmem:s3+$0xFFFFFFE0]  }
0xf9: {  	v7 =	vld [tilespmem:s3+$0x0]  }
.Ltmp6:
0xfa: {  	(pc) =	sbr.rel @p0 .LBB2_14-.Ltmp6, $3  }
0xfb: {  	_ =	sdelay $0x1  }
0xfc: {  	v5 =	vmul.f32 v4, v3;
	v2 =	vmul.f32 v1, v3  }
0xfd: {  	v4 =	vmul.f32 v6, v3;
	v1 =	vmov s7;
	v3 =	vmul.f32 v7, v3  }
0xfe: {  	[tilespmem:s1+$0x10] =	vst v5  }
0xff: {  	s2 =	sadd.s32 $0x40, s3;
	[tilespmem:s1+$0xFFFFFFE0] =	vst v2  }
0x100: {  	v2 =	vld [tilespmem:s2+$0xFFFFFFF0];
	[tilespmem:s1+$0xFFFFFFF0] =	vst v4  }
0x101: {  	v4 =	vld [tilespmem:s2+$0x10];
	[tilespmem:s1+$0x0] =	vst v3  }
0x102: {  	v1 =	vld.idx.msk [tilespmem:v1+s28+$0x0], $0xffff  }
0x103: {  	v3 =	vld [tilespmem:s2+$0xFFFFFFE0];
	_ =	sdelay $0x1  }
0x104: {  	v5 =	vld [tilespmem:s2+$0x0];
	_ =	sdelay $0x1  }
0x105: {  	v4 =	vmul.f32 v4, v1  }
0x106: {  	v3 =	vmul.f32 v3, v1  }
0x107: {  	v2 =	vmul.f32 v2, v1;
	[tilespmem:s2+$0x10] =	vst v4  }
0x108: {  	v1 =	vmul.f32 v5, v1;
	[tilespmem:s2+$0xFFFFFFE0] =	vst v3  }
0x109: {  	[tilespmem:s2+$0xFFFFFFF0] =	vst v2  }
0x10a: {  	s18 =	simm.s32 $0x9CE0;
	[tilespmem:s2+$0x0] =	vst v1  }
0x10b: {  	[spmem:s4] =	stream.indirect.scatter.add.f32 [tilespmem:s22], [sflag:$0x3], $0x40, s18, s29, $0xb8;
	[tilespmem:$0x1D620] =	vst v63  }
0x10c: {  	_ =	swait.ge [sflag:s17], $0x1400  }
0x10d: {  	[sflag:s17] =	ssyncset.done $0x0  }
0x10e: {  	[sflag:s17] =	ssyncadd.s32 $0xFFFFEC00  }
0x10f: {  	_ =	swait.ge [sflag:s30], $0x1400  }
0x110: {  	[sflag:s30] =	ssyncset.done $0x0  }
0x111: {  	[sflag:s30] =	ssyncadd.s32 $0xFFFFEC00  }
0x112: {  	[hbm4b:s14+s5] =	stream.linear.scatter [tilespmem:s21], [sflag:$0x3], $0x2800, $0x38;
	[tilespmem:$0x1D620] =	vst v63  }
0x113: {  	s23 =	stileid.u32;
	_ =	swait.ge [sflag:s17], $0x2800  }
0x114: {  	s31 =	sshrl.u32 s9, $0x3;
	s0 =	sadd.s32 $0x1, s0;
	[sflag:s17] =	ssyncset.done $0x0  }
0x115: {  	p0 =	sne.s32 s0, s15;
	s1 =	sshll.u32 s23, $0x6;
	[sflag:s17] =	ssyncadd.s32 $0xFFFFD800  }
.Ltmp7:
0x116: {  	s1 =	sor.u32 $0x1C03, s1;
	[bflag:$0x0] =	sbarrier.arrive $0xFFFF;
	(pc) =	sbr.rel @p0 .LBB2_1-.Ltmp7, $4  }
0x117: {  	[hbm:s24], [sflag:s1] =	dma.local [spmem:s31], $0x1400  }
0x118: {  	_ =	swait.ge [sflag:s17], $0x1400  }
0x119: {  	[sflag:s17] =	ssyncset.done $0x0  }
0x11a: {  	[sflag:s17] =	ssyncadd.s32 $0xFFFFEC00  }
0x11b: {  	_ =	sfence.sel $0x180000  }
0x11c: {  	[bflag:$0x0] =	sbarrier.arrive $0xFFFF  }
0x11d: {  	_ =	strace $0x90000047  }
0x11e: {  	s0 =	stileid.u32;
	[bflag:$0x2] =	sbarrier.arrive $0xFFFF  }
0x11f: {  	p0 =	sne.s32 s0, $0x0;
	s0 =	rddreg [dreg:$0x6]  }
0x120: {  	s0 =	sadd.s32 @!p0 $0x100000, s0  }
0x121: {  	[sflag:s0] =	ssyncadd.tile.s32 @!p0 $0x1;
	_ =	shalt  }
.Lfunc_end2:
_tile_overlayer_lowered:
.L_overlay_start_2:
0x122: {  	(tag) =	ssettag $0x2  }
0x123: {  	s0 =	rddreg [dreg:$0x0];
	s2 =	stileid.u32  }
0x124: {  	s1 =	rddreg [dreg:$0x1];
	p0 =	sne.s32 s2, $0x0  }
0x125: {  	s3 =	rddreg [dreg:$0x2];
	[bflag:$0x3] =	sbarrier.arrive $0xFFFF;
	s2 =	simm.s32 @!p0 $0x1C03  }
0x126: {  	[timem:s3], [sflag:s2] =	dma.local @!p0 [hbm:s0], s1  }
0x127: {  	s0 =	simm.s32 @!p0 $0x3  }
0x128: {  	_ =	swait.ge @!p0 [sflag:s0], s1  }
0x129: {  	s1 =	ssub.s32 @!p0 $0x0, s1;
	[sflag:s0] =	ssyncset.done @!p0 $0x0  }
0x12a: {  	[sflag:s0] =	ssyncadd.s32 @!p0 s1  }
0x12b: {  	[bflag:$0x3] =	sbarrier.arrive $0xFFFF  }
0x12c: {  	_ =	shalt  }

</sc_bundles>
